<compile_context>
chip_gen: v7x
topology: tpu7x:2x2x1
jax: 0.10.2.dev20260603
libtpu: 0.0.44.dev20260713+nightly
codegen_flags: <defaults>
</compile_context>

<pallas_src>
import jax
import jax.numpy as jnp
from jax.experimental import pallas as pl
from jax.experimental.pallas import tpu as pltpu

IMG = 512
GRID = 64
NA = 3
NC = 80
K_CAND = 1024
MAX_DET = 300
CONF_THRES = 0.001
IOU_THRES = 0.45
MAX_WH = 4096.0


def _nms_kernel(scores_ref, bT_ref, boxes_ref, clsr_ref, clsc_ref,
                ob_ref, os_ref, ol_ref, iou_scr, keep_scr):
    scores = scores_ref[0, 0:1, :]
    offr = clsr_ref[0, 0:1, :] * MAX_WH
    x1r = bT_ref[0, 0:1, :] + offr
    y1r = bT_ref[0, 1:2, :] + offr
    x2r = bT_ref[0, 2:3, :] + offr
    y2r = bT_ref[0, 3:4, :] + offr
    area_r = (x2r - x1r) * (y2r - y1r)

    CH = 128
    for ci in range(K_CAND // CH):
        sl = pl.ds(ci * CH, CH)
        offc = clsc_ref[0, sl, :] * MAX_WH
        x1c = boxes_ref[0, sl, 0:1] + offc
        y1c = boxes_ref[0, sl, 1:2] + offc
        x2c = boxes_ref[0, sl, 2:3] + offc
        y2c = boxes_ref[0, sl, 3:4] + offc
        area_c = (x2c - x1c) * (y2c - y1c)
        ltx = jnp.maximum(x1c, x1r)
        lty = jnp.maximum(y1c, y1r)
        rbx = jnp.minimum(x2c, x2r)
        rby = jnp.minimum(y2c, y2r)
        wi = jnp.clip(rbx - ltx, 0.0)
        hi_ = jnp.clip(rby - lty, 0.0)
        inter = wi * hi_
        iou_scr[sl, :] = inter / (area_c + area_r - inter + 1e-7)

    keep_scr[0:1, :] = jnp.where(scores > CONF_THRES, 1.0, 0.0)

    ob_ref[0] = jnp.zeros((MAX_DET, 4), jnp.float32)
    os_ref[0] = jnp.zeros((MAX_DET, 1), jnp.float32)
    ol_ref[0] = jnp.zeros((MAX_DET, 1), jnp.float32)

    iota = jax.lax.broadcasted_iota(jnp.int32, (1, K_CAND), 1)

    def body(i, r):
        onehot = iota == i
        keep = keep_scr[0:1, :]
        keep_i = jnp.sum(jnp.where(onehot, keep, 0.0))
        row = iou_scr[pl.ds(i, 1), :]
        sup = (row > IOU_THRES) & (iota > i)
        keep_scr[0:1, :] = keep * (1.0 - keep_i * sup.astype(jnp.float32))
        kept = (keep_i > 0.5) & (r < MAX_DET)

        @pl.when(kept)
        def _():
            sc = jnp.sum(jnp.where(onehot, scores_ref[0, 0:1, :], 0.0))
            cl = jnp.sum(jnp.where(onehot, clsr_ref[0, 0:1, :], 0.0))
            ob_ref[0, pl.ds(r, 1), :] = boxes_ref[0, pl.ds(i, 1), :]
            os_ref[0, pl.ds(r, 1), :] = sc.reshape(1, 1)
            ol_ref[0, pl.ds(r, 1), :] = cl.reshape(1, 1)

        return r + kept.astype(jnp.int32)

    jax.lax.fori_loop(0, K_CAND, body, jnp.int32(0))

    b = jnp.clip(ob_ref[0], 0.0, float(IMG))
    s = os_ref[0]
    cl = ol_ref[0]
    x1, y1 = b[:, 0:1], b[:, 1:2]
    x2, y2 = b[:, 2:3], b[:, 3:4]
    size_ok = (x2 > x1) & (y2 > y1) & ((x2 - x1) >= 1.0) & ((y2 - y1) >= 1.0)
    valid = (s > 0.0) & size_ok
    vf = valid.astype(jnp.float32)
    xmin = jnp.minimum(x1, x2)
    xmax = jnp.maximum(x1, x2)
    ymin = jnp.minimum(y1, y2)
    ymax = jnp.maximum(y1, y2)
    ob_ref[0] = jnp.concatenate([xmin, ymin, xmax, ymax], axis=1) * vf
    os_ref[0] = s * vf
    ol_ref[0] = jnp.clip(cl, 0.0, 19.0) * vf


@jax.jit
def kernel(x, W, b):
    B = x.shape[0]

    pooled = x.reshape(B, 3, GRID, 8, GRID, 8).mean(axis=(3, 5))
    feat = jnp.einsum('bchw,cf->bhwf', pooled, W) + b
    p = feat.reshape(B, GRID * GRID * NA, 5 + NC)
    xy = jax.nn.sigmoid(p[..., 0:2]) * float(IMG)
    wh = jax.nn.sigmoid(p[..., 2:4]) * (float(IMG) / 4.0)
    obj = jax.nn.sigmoid(p[..., 4])
    cls = jax.nn.sigmoid(p[..., 5:])
    sc_all = cls * obj[..., None]
    best = sc_all.max(axis=-1)
    bidx = jnp.argmax(sc_all, axis=-1).astype(jnp.float32)
    validm = (obj > CONF_THRES) & (best > CONF_THRES)
    conf_all = jnp.where(validm, best, -1.0)
    x1a = xy[..., 0] - wh[..., 0] * 0.5
    y1a = xy[..., 1] - wh[..., 1] * 0.5
    x2a = xy[..., 0] + wh[..., 0] * 0.5
    y2a = xy[..., 1] + wh[..., 1] * 0.5
    top_scores, top_idx = jax.lax.top_k(conf_all, K_CAND)
    gsel = lambda a: jnp.take_along_axis(a, top_idx, axis=1)
    x1s, y1s, x2s, y2s = gsel(x1a), gsel(y1a), gsel(x2a), gsel(y2a)
    cls_sel = gsel(bidx)
    boxes_sel = jnp.stack([x1s, y1s, x2s, y2s], axis=2)
    boxesT_sel = jnp.stack([x1s, y1s, x2s, y2s], axis=1)
    cls_col = cls_sel.reshape(B, K_CAND, 1)

    out_b, out_s, out_l = pl.pallas_call(
        _nms_kernel,
        grid=(B,),
        in_specs=[
            pl.BlockSpec((1, 1, K_CAND), lambda i: (i, 0, 0)),
            pl.BlockSpec((1, 4, K_CAND), lambda i: (i, 0, 0)),
            pl.BlockSpec((1, K_CAND, 4), lambda i: (i, 0, 0)),
            pl.BlockSpec((1, 1, K_CAND), lambda i: (i, 0, 0)),
            pl.BlockSpec((1, K_CAND, 1), lambda i: (i, 0, 0)),
        ],
        out_specs=[
            pl.BlockSpec((1, MAX_DET, 4), lambda i: (i, 0, 0)),
            pl.BlockSpec((1, MAX_DET, 1), lambda i: (i, 0, 0)),
            pl.BlockSpec((1, MAX_DET, 1), lambda i: (i, 0, 0)),
        ],
        out_shape=[
            jax.ShapeDtypeStruct((B, MAX_DET, 4), jnp.float32),
            jax.ShapeDtypeStruct((B, MAX_DET, 1), jnp.float32),
            jax.ShapeDtypeStruct((B, MAX_DET, 1), jnp.float32),
        ],
        scratch_shapes=[
            pltpu.VMEM((K_CAND, K_CAND), jnp.float32),
            pltpu.VMEM((1, K_CAND), jnp.float32),
        ],
    )(top_scores.reshape(B, 1, K_CAND), boxesT_sel, boxes_sel,
      cls_sel.reshape(B, 1, K_CAND), cls_col)

    boxes = out_b
    scores = out_s.reshape(B, MAX_DET)
    labels = out_l.reshape(B, MAX_DET).astype(jnp.int32)
    return boxes, labels, scores

# --- scband reference (transcript-rebuilt; emitter-appended) ---
"""Pipeline reference for scband-yolowrapper-472446403219 (READ-ONLY COPY).

The authoritative reference and input builder live on the scoring server;
editing this copy changes nothing except your own understanding.
"""

import jax, jax.numpy as jnp
import numpy as np

IMG = 512
GRID = 64
NA = 3
NC = 80
K_CAND = 1024
MAX_DET = 300
CONF_THRES = 0.001
IOU_THRES = 0.45
MAX_WH = 4096.0


def yolo_head(x, W, b):
    # toy YOLO backbone/head standing in for self.yolo_model:
    # 8x8 average pool -> 1x1 conv (W: [3, NA*85]) -> [B, GRID*GRID*NA, 85]
    B = x.shape[0]
    pooled = x.reshape(B, 3, GRID, 8, GRID, 8).mean(axis=(3, 5))  # [B,3,64,64]
    feat = jnp.einsum('bchw,cf->bhwf', pooled, W) + b              # [B,64,64,255]
    p = feat.reshape(B, GRID * GRID * NA, 5 + NC)
    xy = jax.nn.sigmoid(p[..., 0:2]) * float(IMG)
    wh = jax.nn.sigmoid(p[..., 2:4]) * (float(IMG) / 4.0)
    obj = jax.nn.sigmoid(p[..., 4:5])
    cls = jax.nn.sigmoid(p[..., 5:])
    return jnp.concatenate([xy, wh, obj, cls], axis=-1)


def xywh2xyxy(b):
    cx, cy, w, h = b[:, 0], b[:, 1], b[:, 2], b[:, 3]
    return jnp.stack([cx - w / 2, cy - h / 2, cx + w / 2, cy + h / 2], axis=1)


def box_iou(a, b):
    area_a = (a[:, 2] - a[:, 0]) * (a[:, 3] - a[:, 1])
    area_b = (b[:, 2] - b[:, 0]) * (b[:, 3] - b[:, 1])
    lt = jnp.maximum(a[:, None, :2], b[None, :, :2])
    rb = jnp.minimum(a[:, None, 2:], b[None, :, 2:])
    whi = jnp.clip(rb - lt, 0.0)
    inter = whi[..., 0] * whi[..., 1]
    return inter / (area_a[:, None] + area_b[None, :] - inter + 1e-7)


def nms_single(pred):
    # static-shape faithful port of yolov7 non_max_suppression (multi_label=False, agnostic=False)
    obj = pred[:, 4]
    xc = obj > CONF_THRES
    scores_all = pred[:, 5:] * obj[:, None]
    conf = scores_all.max(axis=1)
    cls_id = jnp.argmax(scores_all, axis=1).astype(jnp.int32)
    valid = xc & (conf > CONF_THRES)
    box = xywh2xyxy(pred[:, :4])
    masked = jnp.where(valid, conf, -1.0)
    top_scores, top_idx = jax.lax.top_k(masked, K_CAND)
    boxes = box[top_idx]
    classes = cls_id[top_idx]
    cand_valid = top_scores > CONF_THRES
    off = classes.astype(boxes.dtype) * MAX_WH
    ob = boxes + off[:, None]
    iou = box_iou(ob, ob)
    idxs = jnp.arange(K_CAND)

    def body(i, keep):
        sup = (iou[i] > IOU_THRES) & keep[i] & (idxs > i)
        return keep & (~sup)

    keep = jax.lax.fori_loop(0, K_CAND, body, cand_valid)
    final_m = jnp.where(keep, top_scores, -1.0)
    det_scores, det_idx = jax.lax.top_k(final_m, MAX_DET)
    det_boxes = boxes[det_idx]
    det_cls = classes[det_idx]
    det_valid = det_scores > 0.0
    x1 = jnp.clip(det_boxes[:, 0], 0.0, float(IMG))
    y1 = jnp.clip(det_boxes[:, 1], 0.0, float(IMG))
    x2 = jnp.clip(det_boxes[:, 2], 0.0, float(IMG))
    y2 = jnp.clip(det_boxes[:, 3], 0.0, float(IMG))
    size_ok = (x2 > x1) & (y2 > y1) & ((x2 - x1) >= 1.0) & ((y2 - y1) >= 1.0)
    det_valid = det_valid & size_ok
    labels = jnp.clip(det_cls, 0, 19)
    xs = jnp.sort(jnp.stack([x1, x2], axis=1), axis=1)
    ys = jnp.sort(jnp.stack([y1, y2], axis=1), axis=1)
    out_boxes = jnp.stack([xs[:, 0], ys[:, 0], xs[:, 1], ys[:, 1]], axis=1)
    out_boxes = out_boxes * det_valid[:, None].astype(out_boxes.dtype)
    out_scores = jnp.where(det_valid, det_scores, 0.0)
    out_labels = jnp.where(det_valid, labels, 0)
    return out_boxes, out_scores, out_labels


def setup_inputs(seed: int = 0) -> dict:
    key = jax.random.key(seed)
    k1, k2, k3 = jax.random.split(key, 3)
    x = jax.random.uniform(k1, (4, 3, IMG, IMG), dtype=jnp.float32)  # already in [0,1] -> wrapper skips /255
    W = jax.random.normal(k2, (3, NA * (5 + NC)), dtype=jnp.float32) * 0.5
    b = jax.random.normal(k3, (NA * (5 + NC),), dtype=jnp.float32) * 0.1
    return {"x": x, "W": W, "b": b}


def reference(x, W, b):
    preds = yolo_head(x, W, b)                       # [B, N, 85]
    boxes, scores, labels = jax.vmap(nms_single)(preds)
    # ART-style output padded to static [B, 300, ...]
    return boxes, labels, scores

if __name__ == "__main__":
    import jax
    _d = setup_inputs()
    print(jax.jit(kernel)(*tuple(_d.values())))

</pallas_src>

<mosaic_0001>
module attributes {stable_mosaic.version = 14 : i64} {
  func.func @_nms_kernel(%arg0: i32, %arg1: memref<1x1x1024xf32, #tpu.memory_space<vmem>>, %arg2: memref<1x4x1024xf32, #tpu.memory_space<vmem>>, %arg3: memref<1x1024x4xf32, #tpu.memory_space<vmem>>, %arg4: memref<1x1x1024xf32, #tpu.memory_space<vmem>>, %arg5: memref<1x1024x1xf32, #tpu.memory_space<vmem>>, %arg6: memref<1x300x4xf32, #tpu.memory_space<vmem>>, %arg7: memref<1x300x1xf32, #tpu.memory_space<vmem>>, %arg8: memref<1x300x1xf32, #tpu.memory_space<vmem>>, %arg9: memref<1024x1024xf32, #tpu.memory_space<vmem>>, %arg10: memref<1x1024xf32, #tpu.memory_space<vmem>>) attributes {dimension_semantics = [#tpu.dimension_semantics<arbitrary>], iteration_bounds = array<i64: 4>, scalar_prefetch = 0 : i64, scratch_operands = 2 : i64, tpu.core_type = #tpu.core_type<tc>, window_params = [{transform_indices = @transform_0, window_bounds = array<i64: 1, 1, 1024>}, {transform_indices = @transform_1, window_bounds = array<i64: 1, 4, 1024>}, {transform_indices = @transform_2, window_bounds = array<i64: 1, 1024, 4>}, {transform_indices = @transform_3, window_bounds = array<i64: 1, 1, 1024>}, {transform_indices = @transform_4, window_bounds = array<i64: 1, 1024, 1>}, {transform_indices = @transform_5, window_bounds = array<i64: 1, 300, 4>}, {transform_indices = @transform_6, window_bounds = array<i64: 1, 300, 1>}, {transform_indices = @transform_7, window_bounds = array<i64: 1, 300, 1>}]} {
    %get3A = arith.constant 0 : index
    %get3A_0 = arith.constant 0 : index
    %get3A_1 = arith.constant 0 : index
    %get3A_2 = vector.load %arg1[%get3A, %get3A_0, %get3A_1] : memref<1x1x1024xf32, #tpu.memory_space<vmem>>, vector<1x1x1024xf32>
    %get3A_3 = vector.shape_cast %get3A_2 : vector<1x1x1024xf32> to vector<1x1024xf32>
    %get3A_4 = arith.constant 0 : index
    %get3A_5 = arith.constant 0 : index
    %get3A_6 = arith.constant 0 : index
    %get3A_7 = vector.load %arg4[%get3A_4, %get3A_5, %get3A_6] : memref<1x1x1024xf32, #tpu.memory_space<vmem>>, vector<1x1x1024xf32>
    %get3A_8 = vector.shape_cast %get3A_7 : vector<1x1x1024xf32> to vector<1x1024xf32>
    %mul3A = arith.constant 4.096000e+03 : f32
    %mul3A_9 = vector.broadcast %mul3A : f32 to vector<1x1024xf32>
    %mul3A_10 = arith.mulf %get3A_8, %mul3A_9 : vector<1x1024xf32>
    %get3A_11 = arith.constant 0 : index
    %get3A_12 = arith.constant 0 : index
    %get3A_13 = arith.constant 0 : index
    %get3A_14 = vector.load %arg2[%get3A_11, %get3A_12, %get3A_13] : memref<1x4x1024xf32, #tpu.memory_space<vmem>>, vector<1x1x1024xf32>
    %get3A_15 = vector.shape_cast %get3A_14 : vector<1x1x1024xf32> to vector<1x1024xf32>
    %add3A = arith.addf %get3A_15, %mul3A_10 : vector<1x1024xf32>
    %get3A_16 = arith.constant 0 : index
    %get3A_17 = arith.constant 1 : index
    %get3A_18 = arith.constant 0 : index
    %get3A_19 = vector.load %arg2[%get3A_16, %get3A_17, %get3A_18] : memref<1x4x1024xf32, #tpu.memory_space<vmem>>, vector<1x1x1024xf32>
    %get3A_20 = vector.shape_cast %get3A_19 : vector<1x1x1024xf32> to vector<1x1024xf32>
    %add3A_21 = arith.addf %get3A_20, %mul3A_10 : vector<1x1024xf32>
    %get3A_22 = arith.constant 0 : index
    %get3A_23 = arith.constant 2 : index
    %get3A_24 = arith.constant 0 : index
    %get3A_25 = vector.load %arg2[%get3A_22, %get3A_23, %get3A_24] : memref<1x4x1024xf32, #tpu.memory_space<vmem>>, vector<1x1x1024xf32>
    %get3A_26 = vector.shape_cast %get3A_25 : vector<1x1x1024xf32> to vector<1x1024xf32>
    %add3A_27 = arith.addf %get3A_26, %mul3A_10 : vector<1x1024xf32>
    %get3A_28 = arith.constant 0 : index
    %get3A_29 = arith.constant 3 : index
    %get3A_30 = arith.constant 0 : index
    %get3A_31 = vector.load %arg2[%get3A_28, %get3A_29, %get3A_30] : memref<1x4x1024xf32, #tpu.memory_space<vmem>>, vector<1x1x1024xf32>
    %get3A_32 = vector.shape_cast %get3A_31 : vector<1x1x1024xf32> to vector<1x1024xf32>
    %add3A_33 = arith.addf %get3A_32, %mul3A_10 : vector<1x1024xf32>
    %sub3A = arith.subf %add3A_27, %add3A : vector<1x1024xf32>
    %sub3A_34 = arith.subf %add3A_33, %add3A_21 : vector<1x1024xf32>
    %mul3A_35 = arith.mulf %sub3A, %sub3A_34 : vector<1x1024xf32>
    %get3A_36 = arith.constant 0 : index
    %get3A_37 = arith.constant 0 : index
    %get3A_38 = arith.constant 0 : index
    %get3A_39 = vector.load %arg5[%get3A_36, %get3A_37, %get3A_38] : memref<1x1024x1xf32, #tpu.memory_space<vmem>>, vector<1x128x1xf32>
    %get3A_40 = vector.shape_cast %get3A_39 : vector<1x128x1xf32> to vector<128x1xf32>
    %mul3A_41 = arith.constant 4.096000e+03 : f32
    %mul3A_42 = vector.broadcast %mul3A_41 : f32 to vector<128x1xf32>
    %mul3A_43 = arith.mulf %get3A_40, %mul3A_42 : vector<128x1xf32>
    %get3A_44 = arith.constant 0 : index
    %get3A_45 = arith.constant 0 : index
    %get3A_46 = arith.constant 0 : index
    %get3A_47 = vector.load %arg3[%get3A_44, %get3A_45, %get3A_46] : memref<1x1024x4xf32, #tpu.memory_space<vmem>>, vector<1x128x1xf32>
    %get3A_48 = vector.shape_cast %get3A_47 : vector<1x128x1xf32> to vector<128x1xf32>
    %add3A_49 = arith.addf %get3A_48, %mul3A_43 : vector<128x1xf32>
    %get3A_50 = arith.constant 0 : index
    %get3A_51 = arith.constant 0 : index
    %get3A_52 = arith.constant 1 : index
    %get3A_53 = vector.load %arg3[%get3A_50, %get3A_51, %get3A_52] : memref<1x1024x4xf32, #tpu.memory_space<vmem>>, vector<1x128x1xf32>
    %get3A_54 = vector.shape_cast %get3A_53 : vector<1x128x1xf32> to vector<128x1xf32>
    %add3A_55 = arith.addf %get3A_54, %mul3A_43 : vector<128x1xf32>
    %get3A_56 = arith.constant 0 : index
    %get3A_57 = arith.constant 0 : index
    %get3A_58 = arith.constant 2 : index
    %get3A_59 = vector.load %arg3[%get3A_56, %get3A_57, %get3A_58] : memref<1x1024x4xf32, #tpu.memory_space<vmem>>, vector<1x128x1xf32>
    %get3A_60 = vector.shape_cast %get3A_59 : vector<1x128x1xf32> to vector<128x1xf32>
    %add3A_61 = arith.addf %get3A_60, %mul3A_43 : vector<128x1xf32>
    %get3A_62 = arith.constant 0 : index
    %get3A_63 = arith.constant 0 : index
    %get3A_64 = arith.constant 3 : index
    %get3A_65 = vector.load %arg3[%get3A_62, %get3A_63, %get3A_64] : memref<1x1024x4xf32, #tpu.memory_space<vmem>>, vector<1x128x1xf32>
    %get3A_66 = vector.shape_cast %get3A_65 : vector<1x128x1xf32> to vector<128x1xf32>
    %add3A_67 = arith.addf %get3A_66, %mul3A_43 : vector<128x1xf32>
    %sub3A_68 = arith.subf %add3A_61, %add3A_49 : vector<128x1xf32>
    %sub3A_69 = arith.subf %add3A_67, %add3A_55 : vector<128x1xf32>
    %mul3A_70 = arith.mulf %sub3A_68, %sub3A_69 : vector<128x1xf32>
    %max3A = vector.broadcast %add3A_49 : vector<128x1xf32> to vector<128x1024xf32>
    %max3A_71 = vector.broadcast %add3A : vector<1x1024xf32> to vector<128x1024xf32>
    %max3A_72 = arith.maximumf %max3A, %max3A_71 : vector<128x1024xf32>
    %max3A_73 = vector.broadcast %add3A_55 : vector<128x1xf32> to vector<128x1024xf32>
    %max3A_74 = vector.broadcast %add3A_21 : vector<1x1024xf32> to vector<128x1024xf32>
    %max3A_75 = arith.maximumf %max3A_73, %max3A_74 : vector<128x1024xf32>
    %min3A = vector.broadcast %add3A_61 : vector<128x1xf32> to vector<128x1024xf32>
    %min3A_76 = vector.broadcast %add3A_27 : vector<1x1024xf32> to vector<128x1024xf32>
    %min3A_77 = arith.minimumf %min3A, %min3A_76 : vector<128x1024xf32>
    %min3A_78 = vector.broadcast %add3A_67 : vector<128x1xf32> to vector<128x1024xf32>
    %min3A_79 = vector.broadcast %add3A_33 : vector<1x1024xf32> to vector<128x1024xf32>
    %min3A_80 = arith.minimumf %min3A_78, %min3A_79 : vector<128x1024xf32>
    %sub3A_81 = arith.subf %min3A_77, %max3A_72 : vector<128x1024xf32>
    %jit3A = arith.constant 0.000000e+00 : f32
    %max3A_82 = vector.broadcast %jit3A : f32 to vector<128x1024xf32>
    %max3A_83 = arith.maximumf %max3A_82, %sub3A_81 : vector<128x1024xf32>
    %sub3A_84 = arith.subf %min3A_80, %max3A_75 : vector<128x1024xf32>
    %jit3A_85 = arith.constant 0.000000e+00 : f32
    %max3A_86 = vector.broadcast %jit3A_85 : f32 to vector<128x1024xf32>
    %max3A_87 = arith.maximumf %max3A_86, %sub3A_84 : vector<128x1024xf32>
    %mul3A_88 = arith.mulf %max3A_83, %max3A_87 : vector<128x1024xf32>
    %add3A_89 = vector.broadcast %mul3A_70 : vector<128x1xf32> to vector<128x1024xf32>
    %add3A_90 = vector.broadcast %mul3A_35 : vector<1x1024xf32> to vector<128x1024xf32>
    %add3A_91 = arith.addf %add3A_89, %add3A_90 : vector<128x1024xf32>
    %sub3A_92 = arith.subf %add3A_91, %mul3A_88 : vector<128x1024xf32>
    %add3A_93 = arith.constant 1.000000e-07 : f32
    %add3A_94 = vector.broadcast %add3A_93 : f32 to vector<128x1024xf32>
    %add3A_95 = arith.addf %sub3A_92, %add3A_94 : vector<128x1024xf32>
    %div3A = arith.divf %mul3A_88, %add3A_95 : vector<128x1024xf32>
    %swap3A = arith.constant 0 : index
    %swap3A_96 = arith.constant 0 : index
    %swap3A_97 = vector.load %arg9[%swap3A, %swap3A_96] : memref<1024x1024xf32, #tpu.memory_space<vmem>>, vector<128x1024xf32>
    tpu.vector_store %arg9[%swap3A, %swap3A_96], %div3A {strides = array<i32>} : memref<1024x1024xf32, #tpu.memory_space<vmem>>, vector<128x1024xf32>,
    %get3A_98 = arith.constant 0 : index
    %get3A_99 = arith.constant 128 : index
    %get3A_100 = arith.constant 0 : index
    %get3A_101 = vector.load %arg5[%get3A_98, %get3A_99, %get3A_100] : memref<1x1024x1xf32, #tpu.memory_space<vmem>>, vector<1x128x1xf32>
    %get3A_102 = vector.shape_cast %get3A_101 : vector<1x128x1xf32> to vector<128x1xf32>
    %mul3A_103 = arith.constant 4.096000e+03 : f32
    %mul3A_104 = vector.broadcast %mul3A_103 : f32 to vector<128x1xf32>
    %mul3A_105 = arith.mulf %get3A_102, %mul3A_104 : vector<128x1xf32>
    %get3A_106 = arith.constant 0 : index
    %get3A_107 = arith.constant 128 : index
    %get3A_108 = arith.constant 0 : index
    %get3A_109 = vector.load %arg3[%get3A_106, %get3A_107, %get3A_108] : memref<1x1024x4xf32, #tpu.memory_space<vmem>>, vector<1x128x1xf32>
    %get3A_110 = vector.shape_cast %get3A_109 : vector<1x128x1xf32> to vector<128x1xf32>
    %add3A_111 = arith.addf %get3A_110, %mul3A_105 : vector<128x1xf32>
    %get3A_112 = arith.constant 0 : index
    %get3A_113 = arith.constant 128 : index
    %get3A_114 = arith.constant 1 : index
    %get3A_115 = vector.load %arg3[%get3A_112, %get3A_113, %get3A_114] : memref<1x1024x4xf32, #tpu.memory_space<vmem>>, vector<1x128x1xf32>
    %get3A_116 = vector.shape_cast %get3A_115 : vector<1x128x1xf32> to vector<128x1xf32>
    %add3A_117 = arith.addf %get3A_116, %mul3A_105 : vector<128x1xf32>
    %get3A_118 = arith.constant 0 : index
    %get3A_119 = arith.constant 128 : index
    %get3A_120 = arith.constant 2 : index
    %get3A_121 = vector.load %arg3[%get3A_118, %get3A_119, %get3A_120] : memref<1x1024x4xf32, #tpu.memory_space<vmem>>, vector<1x128x1xf32>
    %get3A_122 = vector.shape_cast %get3A_121 : vector<1x128x1xf32> to vector<128x1xf32>
    %add3A_123 = arith.addf %get3A_122, %mul3A_105 : vector<128x1xf32>
    %get3A_124 = arith.constant 0 : index
    %get3A_125 = arith.constant 128 : index
    %get3A_126 = arith.constant 3 : index
    %get3A_127 = vector.load %arg3[%get3A_124, %get3A_125, %get3A_126] : memref<1x1024x4xf32, #tpu.memory_space<vmem>>, vector<1x128x1xf32>
    %get3A_128 = vector.shape_cast %get3A_127 : vector<1x128x1xf32> to vector<128x1xf32>
    %add3A_129 = arith.addf %get3A_128, %mul3A_105 : vector<128x1xf32>
    %sub3A_130 = arith.subf %add3A_123, %add3A_111 : vector<128x1xf32>
    %sub3A_131 = arith.subf %add3A_129, %add3A_117 : vector<128x1xf32>
    %mul3A_132 = arith.mulf %sub3A_130, %sub3A_131 : vector<128x1xf32>
    %max3A_133 = vector.broadcast %add3A_111 : vector<128x1xf32> to vector<128x1024xf32>
    %max3A_134 = vector.broadcast %add3A : vector<1x1024xf32> to vector<128x1024xf32>
    %max3A_135 = arith.maximumf %max3A_133, %max3A_134 : vector<128x1024xf32>
    %max3A_136 = vector.broadcast %add3A_117 : vector<128x1xf32> to vector<128x1024xf32>
    %max3A_137 = vector.broadcast %add3A_21 : vector<1x1024xf32> to vector<128x1024xf32>
    %max3A_138 = arith.maximumf %max3A_136, %max3A_137 : vector<128x1024xf32>
    %min3A_139 = vector.broadcast %add3A_123 : vector<128x1xf32> to vector<128x1024xf32>
    %min3A_140 = vector.broadcast %add3A_27 : vector<1x1024xf32> to vector<128x1024xf32>
    %min3A_141 = arith.minimumf %min3A_139, %min3A_140 : vector<128x1024xf32>
    %min3A_142 = vector.broadcast %add3A_129 : vector<128x1xf32> to vector<128x1024xf32>
    %min3A_143 = vector.broadcast %add3A_33 : vector<1x1024xf32> to vector<128x1024xf32>
    %min3A_144 = arith.minimumf %min3A_142, %min3A_143 : vector<128x1024xf32>
    %sub3A_145 = arith.subf %min3A_141, %max3A_135 : vector<128x1024xf32>
    %jit3A_146 = arith.constant 0.000000e+00 : f32
    %max3A_147 = vector.broadcast %jit3A_146 : f32 to vector<128x1024xf32>
    %max3A_148 = arith.maximumf %max3A_147, %sub3A_145 : vector<128x1024xf32>
    %sub3A_149 = arith.subf %min3A_144, %max3A_138 : vector<128x1024xf32>
    %jit3A_150 = arith.constant 0.000000e+00 : f32
    %max3A_151 = vector.broadcast %jit3A_150 : f32 to vector<128x1024xf32>
    %max3A_152 = arith.maximumf %max3A_151, %sub3A_149 : vector<128x1024xf32>
    %mul3A_153 = arith.mulf %max3A_148, %max3A_152 : vector<128x1024xf32>
    %add3A_154 = vector.broadcast %mul3A_132 : vector<128x1xf32> to vector<128x1024xf32>
    %add3A_155 = vector.broadcast %mul3A_35 : vector<1x1024xf32> to vector<128x1024xf32>
    %add3A_156 = arith.addf %add3A_154, %add3A_155 : vector<128x1024xf32>
    %sub3A_157 = arith.subf %add3A_156, %mul3A_153 : vector<128x1024xf32>
    %add3A_158 = arith.constant 1.000000e-07 : f32
    %add3A_159 = vector.broadcast %add3A_158 : f32 to vector<128x1024xf32>
    %add3A_160 = arith.addf %sub3A_157, %add3A_159 : vector<128x1024xf32>
    %div3A_161 = arith.divf %mul3A_153, %add3A_160 : vector<128x1024xf32>
    %swap3A_162 = arith.constant 128 : index
    %swap3A_163 = arith.constant 0 : index
    %swap3A_164 = vector.load %arg9[%swap3A_162, %swap3A_163] : memref<1024x1024xf32, #tpu.memory_space<vmem>>, vector<128x1024xf32>
    tpu.vector_store %arg9[%swap3A_162, %swap3A_163], %div3A_161 {strides = array<i32>} : memref<1024x1024xf32, #tpu.memory_space<vmem>>, vector<128x1024xf32>,
    %get3A_165 = arith.constant 0 : index
    %get3A_166 = arith.constant 256 : index
    %get3A_167 = arith.constant 0 : index
    %get3A_168 = vector.load %arg5[%get3A_165, %get3A_166, %get3A_167] : memref<1x1024x1xf32, #tpu.memory_space<vmem>>, vector<1x128x1xf32>
    %get3A_169 = vector.shape_cast %get3A_168 : vector<1x128x1xf32> to vector<128x1xf32>
    %mul3A_170 = arith.constant 4.096000e+03 : f32
    %mul3A_171 = vector.broadcast %mul3A_170 : f32 to vector<128x1xf32>
    %mul3A_172 = arith.mulf %get3A_169, %mul3A_171 : vector<128x1xf32>
    %get3A_173 = arith.constant 0 : index
    %get3A_174 = arith.constant 256 : index
    %get3A_175 = arith.constant 0 : index
    %get3A_176 = vector.load %arg3[%get3A_173, %get3A_174, %get3A_175] : memref<1x1024x4xf32, #tpu.memory_space<vmem>>, vector<1x128x1xf32>
    %get3A_177 = vector.shape_cast %get3A_176 : vector<1x128x1xf32> to vector<128x1xf32>
    %add3A_178 = arith.addf %get3A_177, %mul3A_172 : vector<128x1xf32>
    %get3A_179 = arith.constant 0 : index
    %get3A_180 = arith.constant 256 : index
    %get3A_181 = arith.constant 1 : index
    %get3A_182 = vector.load %arg3[%get3A_179, %get3A_180, %get3A_181] : memref<1x1024x4xf32, #tpu.memory_space<vmem>>, vector<1x128x1xf32>
    %get3A_183 = vector.shape_cast %get3A_182 : vector<1x128x1xf32> to vector<128x1xf32>
    %add3A_184 = arith.addf %get3A_183, %mul3A_172 : vector<128x1xf32>
    %get3A_185 = arith.constant 0 : index
    %get3A_186 = arith.constant 256 : index
    %get3A_187 = arith.constant 2 : index
    %get3A_188 = vector.load %arg3[%get3A_185, %get3A_186, %get3A_187] : memref<1x1024x4xf32, #tpu.memory_space<vmem>>, vector<1x128x1xf32>
    %get3A_189 = vector.shape_cast %get3A_188 : vector<1x128x1xf32> to vector<128x1xf32>
    %add3A_190 = arith.addf %get3A_189, %mul3A_172 : vector<128x1xf32>
    %get3A_191 = arith.constant 0 : index
    %get3A_192 = arith.constant 256 : index
    %get3A_193 = arith.constant 3 : index
    %get3A_194 = vector.load %arg3[%get3A_191, %get3A_192, %get3A_193] : memref<1x1024x4xf32, #tpu.memory_space<vmem>>, vector<1x128x1xf32>
    %get3A_195 = vector.shape_cast %get3A_194 : vector<1x128x1xf32> to vector<128x1xf32>
    %add3A_196 = arith.addf %get3A_195, %mul3A_172 : vector<128x1xf32>
    %sub3A_197 = arith.subf %add3A_190, %add3A_178 : vector<128x1xf32>
    %sub3A_198 = arith.subf %add3A_196, %add3A_184 : vector<128x1xf32>
    %mul3A_199 = arith.mulf %sub3A_197, %sub3A_198 : vector<128x1xf32>
    %max3A_200 = vector.broadcast %add3A_178 : vector<128x1xf32> to vector<128x1024xf32>
    %max3A_201 = vector.broadcast %add3A : vector<1x1024xf32> to vector<128x1024xf32>
    %max3A_202 = arith.maximumf %max3A_200, %max3A_201 : vector<128x1024xf32>
    %max3A_203 = vector.broadcast %add3A_184 : vector<128x1xf32> to vector<128x1024xf32>
    %max3A_204 = vector.broadcast %add3A_21 : vector<1x1024xf32> to vector<128x1024xf32>
    %max3A_205 = arith.maximumf %max3A_203, %max3A_204 : vector<128x1024xf32>
    %min3A_206 = vector.broadcast %add3A_190 : vector<128x1xf32> to vector<128x1024xf32>
    %min3A_207 = vector.broadcast %add3A_27 : vector<1x1024xf32> to vector<128x1024xf32>
    %min3A_208 = arith.minimumf %min3A_206, %min3A_207 : vector<128x1024xf32>
    %min3A_209 = vector.broadcast %add3A_196 : vector<128x1xf32> to vector<128x1024xf32>
    %min3A_210 = vector.broadcast %add3A_33 : vector<1x1024xf32> to vector<128x1024xf32>
    %min3A_211 = arith.minimumf %min3A_209, %min3A_210 : vector<128x1024xf32>
    %sub3A_212 = arith.subf %min3A_208, %max3A_202 : vector<128x1024xf32>
    %jit3A_213 = arith.constant 0.000000e+00 : f32
    %max3A_214 = vector.broadcast %jit3A_213 : f32 to vector<128x1024xf32>
    %max3A_215 = arith.maximumf %max3A_214, %sub3A_212 : vector<128x1024xf32>
    %sub3A_216 = arith.subf %min3A_211, %max3A_205 : vector<128x1024xf32>
    %jit3A_217 = arith.constant 0.000000e+00 : f32
    %max3A_218 = vector.broadcast %jit3A_217 : f32 to vector<128x1024xf32>
    %max3A_219 = arith.maximumf %max3A_218, %sub3A_216 : vector<128x1024xf32>
    %mul3A_220 = arith.mulf %max3A_215, %max3A_219 : vector<128x1024xf32>
    %add3A_221 = vector.broadcast %mul3A_199 : vector<128x1xf32> to vector<128x1024xf32>
    %add3A_222 = vector.broadcast %mul3A_35 : vector<1x1024xf32> to vector<128x1024xf32>
    %add3A_223 = arith.addf %add3A_221, %add3A_222 : vector<128x1024xf32>
    %sub3A_224 = arith.subf %add3A_223, %mul3A_220 : vector<128x1024xf32>
    %add3A_225 = arith.constant 1.000000e-07 : f32
    %add3A_226 = vector.broadcast %add3A_225 : f32 to vector<128x1024xf32>
    %add3A_227 = arith.addf %sub3A_224, %add3A_226 : vector<128x1024xf32>
    %div3A_228 = arith.divf %mul3A_220, %add3A_227 : vector<128x1024xf32>
    %swap3A_229 = arith.constant 256 : index
    %swap3A_230 = arith.constant 0 : index
    %swap3A_231 = vector.load %arg9[%swap3A_229, %swap3A_230] : memref<1024x1024xf32, #tpu.memory_space<vmem>>, vector<128x1024xf32>
    tpu.vector_store %arg9[%swap3A_229, %swap3A_230], %div3A_228 {strides = array<i32>} : memref<1024x1024xf32, #tpu.memory_space<vmem>>, vector<128x1024xf32>,
    %get3A_232 = arith.constant 0 : index
    %get3A_233 = arith.constant 384 : index
    %get3A_234 = arith.constant 0 : index
    %get3A_235 = vector.load %arg5[%get3A_232, %get3A_233, %get3A_234] : memref<1x1024x1xf32, #tpu.memory_space<vmem>>, vector<1x128x1xf32>
    %get3A_236 = vector.shape_cast %get3A_235 : vector<1x128x1xf32> to vector<128x1xf32>
    %mul3A_237 = arith.constant 4.096000e+03 : f32
    %mul3A_238 = vector.broadcast %mul3A_237 : f32 to vector<128x1xf32>
    %mul3A_239 = arith.mulf %get3A_236, %mul3A_238 : vector<128x1xf32>
    %get3A_240 = arith.constant 0 : index
    %get3A_241 = arith.constant 384 : index
    %get3A_242 = arith.constant 0 : index
    %get3A_243 = vector.load %arg3[%get3A_240, %get3A_241, %get3A_242] : memref<1x1024x4xf32, #tpu.memory_space<vmem>>, vector<1x128x1xf32>
    %get3A_244 = vector.shape_cast %get3A_243 : vector<1x128x1xf32> to vector<128x1xf32>
    %add3A_245 = arith.addf %get3A_244, %mul3A_239 : vector<128x1xf32>
    %get3A_246 = arith.constant 0 : index
    %get3A_247 = arith.constant 384 : index
    %get3A_248 = arith.constant 1 : index
    %get3A_249 = vector.load %arg3[%get3A_246, %get3A_247, %get3A_248] : memref<1x1024x4xf32, #tpu.memory_space<vmem>>, vector<1x128x1xf32>
    %get3A_250 = vector.shape_cast %get3A_249 : vector<1x128x1xf32> to vector<128x1xf32>
    %add3A_251 = arith.addf %get3A_250, %mul3A_239 : vector<128x1xf32>
    %get3A_252 = arith.constant 0 : index
    %get3A_253 = arith.constant 384 : index
    %get3A_254 = arith.constant 2 : index
    %get3A_255 = vector.load %arg3[%get3A_252, %get3A_253, %get3A_254] : memref<1x1024x4xf32, #tpu.memory_space<vmem>>, vector<1x128x1xf32>
    %get3A_256 = vector.shape_cast %get3A_255 : vector<1x128x1xf32> to vector<128x1xf32>
    %add3A_257 = arith.addf %get3A_256, %mul3A_239 : vector<128x1xf32>
    %get3A_258 = arith.constant 0 : index
    %get3A_259 = arith.constant 384 : index
    %get3A_260 = arith.constant 3 : index
    %get3A_261 = vector.load %arg3[%get3A_258, %get3A_259, %get3A_260] : memref<1x1024x4xf32, #tpu.memory_space<vmem>>, vector<1x128x1xf32>
    %get3A_262 = vector.shape_cast %get3A_261 : vector<1x128x1xf32> to vector<128x1xf32>
    %add3A_263 = arith.addf %get3A_262, %mul3A_239 : vector<128x1xf32>
    %sub3A_264 = arith.subf %add3A_257, %add3A_245 : vector<128x1xf32>
    %sub3A_265 = arith.subf %add3A_263, %add3A_251 : vector<128x1xf32>
    %mul3A_266 = arith.mulf %sub3A_264, %sub3A_265 : vector<128x1xf32>
    %max3A_267 = vector.broadcast %add3A_245 : vector<128x1xf32> to vector<128x1024xf32>
    %max3A_268 = vector.broadcast %add3A : vector<1x1024xf32> to vector<128x1024xf32>
    %max3A_269 = arith.maximumf %max3A_267, %max3A_268 : vector<128x1024xf32>
    %max3A_270 = vector.broadcast %add3A_251 : vector<128x1xf32> to vector<128x1024xf32>
    %max3A_271 = vector.broadcast %add3A_21 : vector<1x1024xf32> to vector<128x1024xf32>
    %max3A_272 = arith.maximumf %max3A_270, %max3A_271 : vector<128x1024xf32>
    %min3A_273 = vector.broadcast %add3A_257 : vector<128x1xf32> to vector<128x1024xf32>
    %min3A_274 = vector.broadcast %add3A_27 : vector<1x1024xf32> to vector<128x1024xf32>
    %min3A_275 = arith.minimumf %min3A_273, %min3A_274 : vector<128x1024xf32>
    %min3A_276 = vector.broadcast %add3A_263 : vector<128x1xf32> to vector<128x1024xf32>
    %min3A_277 = vector.broadcast %add3A_33 : vector<1x1024xf32> to vector<128x1024xf32>
    %min3A_278 = arith.minimumf %min3A_276, %min3A_277 : vector<128x1024xf32>
    %sub3A_279 = arith.subf %min3A_275, %max3A_269 : vector<128x1024xf32>
    %jit3A_280 = arith.constant 0.000000e+00 : f32
    %max3A_281 = vector.broadcast %jit3A_280 : f32 to vector<128x1024xf32>
    %max3A_282 = arith.maximumf %max3A_281, %sub3A_279 : vector<128x1024xf32>
    %sub3A_283 = arith.subf %min3A_278, %max3A_272 : vector<128x1024xf32>
    %jit3A_284 = arith.constant 0.000000e+00 : f32
    %max3A_285 = vector.broadcast %jit3A_284 : f32 to vector<128x1024xf32>
    %max3A_286 = arith.maximumf %max3A_285, %sub3A_283 : vector<128x1024xf32>
    %mul3A_287 = arith.mulf %max3A_282, %max3A_286 : vector<128x1024xf32>
    %add3A_288 = vector.broadcast %mul3A_266 : vector<128x1xf32> to vector<128x1024xf32>
    %add3A_289 = vector.broadcast %mul3A_35 : vector<1x1024xf32> to vector<128x1024xf32>
    %add3A_290 = arith.addf %add3A_288, %add3A_289 : vector<128x1024xf32>
    %sub3A_291 = arith.subf %add3A_290, %mul3A_287 : vector<128x1024xf32>
    %add3A_292 = arith.constant 1.000000e-07 : f32
    %add3A_293 = vector.broadcast %add3A_292 : f32 to vector<128x1024xf32>
    %add3A_294 = arith.addf %sub3A_291, %add3A_293 : vector<128x1024xf32>
    %div3A_295 = arith.divf %mul3A_287, %add3A_294 : vector<128x1024xf32>
    %swap3A_296 = arith.constant 384 : index
    %swap3A_297 = arith.constant 0 : index
    %swap3A_298 = vector.load %arg9[%swap3A_296, %swap3A_297] : memref<1024x1024xf32, #tpu.memory_space<vmem>>, vector<128x1024xf32>
    tpu.vector_store %arg9[%swap3A_296, %swap3A_297], %div3A_295 {strides = array<i32>} : memref<1024x1024xf32, #tpu.memory_space<vmem>>, vector<128x1024xf32>,
    %get3A_299 = arith.constant 0 : index
    %get3A_300 = arith.constant 512 : index
    %get3A_301 = arith.constant 0 : index
    %get3A_302 = vector.load %arg5[%get3A_299, %get3A_300, %get3A_301] : memref<1x1024x1xf32, #tpu.memory_space<vmem>>, vector<1x128x1xf32>
    %get3A_303 = vector.shape_cast %get3A_302 : vector<1x128x1xf32> to vector<128x1xf32>
    %mul3A_304 = arith.constant 4.096000e+03 : f32
    %mul3A_305 = vector.broadcast %mul3A_304 : f32 to vector<128x1xf32>
    %mul3A_306 = arith.mulf %get3A_303, %mul3A_305 : vector<128x1xf32>
    %get3A_307 = arith.constant 0 : index
    %get3A_308 = arith.constant 512 : index
    %get3A_309 = arith.constant 0 : index
    %get3A_310 = vector.load %arg3[%get3A_307, %get3A_308, %get3A_309] : memref<1x1024x4xf32, #tpu.memory_space<vmem>>, vector<1x128x1xf32>
    %get3A_311 = vector.shape_cast %get3A_310 : vector<1x128x1xf32> to vector<128x1xf32>
    %add3A_312 = arith.addf %get3A_311, %mul3A_306 : vector<128x1xf32>
    %get3A_313 = arith.constant 0 : index
    %get3A_314 = arith.constant 512 : index
    %get3A_315 = arith.constant 1 : index
    %get3A_316 = vector.load %arg3[%get3A_313, %get3A_314, %get3A_315] : memref<1x1024x4xf32, #tpu.memory_space<vmem>>, vector<1x128x1xf32>
    %get3A_317 = vector.shape_cast %get3A_316 : vector<1x128x1xf32> to vector<128x1xf32>
    %add3A_318 = arith.addf %get3A_317, %mul3A_306 : vector<128x1xf32>
    %get3A_319 = arith.constant 0 : index
    %get3A_320 = arith.constant 512 : index
    %get3A_321 = arith.constant 2 : index
    %get3A_322 = vector.load %arg3[%get3A_319, %get3A_320, %get3A_321] : memref<1x1024x4xf32, #tpu.memory_space<vmem>>, vector<1x128x1xf32>
    %get3A_323 = vector.shape_cast %get3A_322 : vector<1x128x1xf32> to vector<128x1xf32>
    %add3A_324 = arith.addf %get3A_323, %mul3A_306 : vector<128x1xf32>
    %get3A_325 = arith.constant 0 : index
    %get3A_326 = arith.constant 512 : index
    %get3A_327 = arith.constant 3 : index
    %get3A_328 = vector.load %arg3[%get3A_325, %get3A_326, %get3A_327] : memref<1x1024x4xf32, #tpu.memory_space<vmem>>, vector<1x128x1xf32>
    %get3A_329 = vector.shape_cast %get3A_328 : vector<1x128x1xf32> to vector<128x1xf32>
    %add3A_330 = arith.addf %get3A_329, %mul3A_306 : vector<128x1xf32>
    %sub3A_331 = arith.subf %add3A_324, %add3A_312 : vector<128x1xf32>
    %sub3A_332 = arith.subf %add3A_330, %add3A_318 : vector<128x1xf32>
    %mul3A_333 = arith.mulf %sub3A_331, %sub3A_332 : vector<128x1xf32>
    %max3A_334 = vector.broadcast %add3A_312 : vector<128x1xf32> to vector<128x1024xf32>
    %max3A_335 = vector.broadcast %add3A : vector<1x1024xf32> to vector<128x1024xf32>
    %max3A_336 = arith.maximumf %max3A_334, %max3A_335 : vector<128x1024xf32>
    %max3A_337 = vector.broadcast %add3A_318 : vector<128x1xf32> to vector<128x1024xf32>
    %max3A_338 = vector.broadcast %add3A_21 : vector<1x1024xf32> to vector<128x1024xf32>
    %max3A_339 = arith.maximumf %max3A_337, %max3A_338 : vector<128x1024xf32>
    %min3A_340 = vector.broadcast %add3A_324 : vector<128x1xf32> to vector<128x1024xf32>
    %min3A_341 = vector.broadcast %add3A_27 : vector<1x1024xf32> to vector<128x1024xf32>
    %min3A_342 = arith.minimumf %min3A_340, %min3A_341 : vector<128x1024xf32>
    %min3A_343 = vector.broadcast %add3A_330 : vector<128x1xf32> to vector<128x1024xf32>
    %min3A_344 = vector.broadcast %add3A_33 : vector<1x1024xf32> to vector<128x1024xf32>
    %min3A_345 = arith.minimumf %min3A_343, %min3A_344 : vector<128x1024xf32>
    %sub3A_346 = arith.subf %min3A_342, %max3A_336 : vector<128x1024xf32>
    %jit3A_347 = arith.constant 0.000000e+00 : f32
    %max3A_348 = vector.broadcast %jit3A_347 : f32 to vector<128x1024xf32>
    %max3A_349 = arith.maximumf %max3A_348, %sub3A_346 : vector<128x1024xf32>
    %sub3A_350 = arith.subf %min3A_345, %max3A_339 : vector<128x1024xf32>
    %jit3A_351 = arith.constant 0.000000e+00 : f32
    %max3A_352 = vector.broadcast %jit3A_351 : f32 to vector<128x1024xf32>
    %max3A_353 = arith.maximumf %max3A_352, %sub3A_350 : vector<128x1024xf32>
    %mul3A_354 = arith.mulf %max3A_349, %max3A_353 : vector<128x1024xf32>
    %add3A_355 = vector.broadcast %mul3A_333 : vector<128x1xf32> to vector<128x1024xf32>
    %add3A_356 = vector.broadcast %mul3A_35 : vector<1x1024xf32> to vector<128x1024xf32>
    %add3A_357 = arith.addf %add3A_355, %add3A_356 : vector<128x1024xf32>
    %sub3A_358 = arith.subf %add3A_357, %mul3A_354 : vector<128x1024xf32>
    %add3A_359 = arith.constant 1.000000e-07 : f32
    %add3A_360 = vector.broadcast %add3A_359 : f32 to vector<128x1024xf32>
    %add3A_361 = arith.addf %sub3A_358, %add3A_360 : vector<128x1024xf32>
    %div3A_362 = arith.divf %mul3A_354, %add3A_361 : vector<128x1024xf32>
    %swap3A_363 = arith.constant 512 : index
    %swap3A_364 = arith.constant 0 : index
    %swap3A_365 = vector.load %arg9[%swap3A_363, %swap3A_364] : memref<1024x1024xf32, #tpu.memory_space<vmem>>, vector<128x1024xf32>
    tpu.vector_store %arg9[%swap3A_363, %swap3A_364], %div3A_362 {strides = array<i32>} : memref<1024x1024xf32, #tpu.memory_space<vmem>>, vector<128x1024xf32>,
    %get3A_366 = arith.constant 0 : index
    %get3A_367 = arith.constant 640 : index
    %get3A_368 = arith.constant 0 : index
    %get3A_369 = vector.load %arg5[%get3A_366, %get3A_367, %get3A_368] : memref<1x1024x1xf32, #tpu.memory_space<vmem>>, vector<1x128x1xf32>
    %get3A_370 = vector.shape_cast %get3A_369 : vector<1x128x1xf32> to vector<128x1xf32>
    %mul3A_371 = arith.constant 4.096000e+03 : f32
    %mul3A_372 = vector.broadcast %mul3A_371 : f32 to vector<128x1xf32>
    %mul3A_373 = arith.mulf %get3A_370, %mul3A_372 : vector<128x1xf32>
    %get3A_374 = arith.constant 0 : index
    %get3A_375 = arith.constant 640 : index
    %get3A_376 = arith.constant 0 : index
    %get3A_377 = vector.load %arg3[%get3A_374, %get3A_375, %get3A_376] : memref<1x1024x4xf32, #tpu.memory_space<vmem>>, vector<1x128x1xf32>
    %get3A_378 = vector.shape_cast %get3A_377 : vector<1x128x1xf32> to vector<128x1xf32>
    %add3A_379 = arith.addf %get3A_378, %mul3A_373 : vector<128x1xf32>
    %get3A_380 = arith.constant 0 : index
    %get3A_381 = arith.constant 640 : index
    %get3A_382 = arith.constant 1 : index
    %get3A_383 = vector.load %arg3[%get3A_380, %get3A_381, %get3A_382] : memref<1x1024x4xf32, #tpu.memory_space<vmem>>, vector<1x128x1xf32>
    %get3A_384 = vector.shape_cast %get3A_383 : vector<1x128x1xf32> to vector<128x1xf32>
    %add3A_385 = arith.addf %get3A_384, %mul3A_373 : vector<128x1xf32>
    %get3A_386 = arith.constant 0 : index
    %get3A_387 = arith.constant 640 : index
    %get3A_388 = arith.constant 2 : index
    %get3A_389 = vector.load %arg3[%get3A_386, %get3A_387, %get3A_388] : memref<1x1024x4xf32, #tpu.memory_space<vmem>>, vector<1x128x1xf32>
    %get3A_390 = vector.shape_cast %get3A_389 : vector<1x128x1xf32> to vector<128x1xf32>
    %add3A_391 = arith.addf %get3A_390, %mul3A_373 : vector<128x1xf32>
    %get3A_392 = arith.constant 0 : index
    %get3A_393 = arith.constant 640 : index
    %get3A_394 = arith.constant 3 : index
    %get3A_395 = vector.load %arg3[%get3A_392, %get3A_393, %get3A_394] : memref<1x1024x4xf32, #tpu.memory_space<vmem>>, vector<1x128x1xf32>
    %get3A_396 = vector.shape_cast %get3A_395 : vector<1x128x1xf32> to vector<128x1xf32>
    %add3A_397 = arith.addf %get3A_396, %mul3A_373 : vector<128x1xf32>
    %sub3A_398 = arith.subf %add3A_391, %add3A_379 : vector<128x1xf32>
    %sub3A_399 = arith.subf %add3A_397, %add3A_385 : vector<128x1xf32>
    %mul3A_400 = arith.mulf %sub3A_398, %sub3A_399 : vector<128x1xf32>
    %max3A_401 = vector.broadcast %add3A_379 : vector<128x1xf32> to vector<128x1024xf32>
    %max3A_402 = vector.broadcast %add3A : vector<1x1024xf32> to vector<128x1024xf32>
    %max3A_403 = arith.maximumf %max3A_401, %max3A_402 : vector<128x1024xf32>
    %max3A_404 = vector.broadcast %add3A_385 : vector<128x1xf32> to vector<128x1024xf32>
    %max3A_405 = vector.broadcast %add3A_21 : vector<1x1024xf32> to vector<128x1024xf32>
    %max3A_406 = arith.maximumf %max3A_404, %max3A_405 : vector<128x1024xf32>
    %min3A_407 = vector.broadcast %add3A_391 : vector<128x1xf32> to vector<128x1024xf32>
    %min3A_408 = vector.broadcast %add3A_27 : vector<1x1024xf32> to vector<128x1024xf32>
    %min3A_409 = arith.minimumf %min3A_407, %min3A_408 : vector<128x1024xf32>
    %min3A_410 = vector.broadcast %add3A_397 : vector<128x1xf32> to vector<128x1024xf32>
    %min3A_411 = vector.broadcast %add3A_33 : vector<1x1024xf32> to vector<128x1024xf32>
    %min3A_412 = arith.minimumf %min3A_410, %min3A_411 : vector<128x1024xf32>
    %sub3A_413 = arith.subf %min3A_409, %max3A_403 : vector<128x1024xf32>
    %jit3A_414 = arith.constant 0.000000e+00 : f32
    %max3A_415 = vector.broadcast %jit3A_414 : f32 to vector<128x1024xf32>
    %max3A_416 = arith.maximumf %max3A_415, %sub3A_413 : vector<128x1024xf32>
    %sub3A_417 = arith.subf %min3A_412, %max3A_406 : vector<128x1024xf32>
    %jit3A_418 = arith.constant 0.000000e+00 : f32
    %max3A_419 = vector.broadcast %jit3A_418 : f32 to vector<128x1024xf32>
    %max3A_420 = arith.maximumf %max3A_419, %sub3A_417 : vector<128x1024xf32>
    %mul3A_421 = arith.mulf %max3A_416, %max3A_420 : vector<128x1024xf32>
    %add3A_422 = vector.broadcast %mul3A_400 : vector<128x1xf32> to vector<128x1024xf32>
    %add3A_423 = vector.broadcast %mul3A_35 : vector<1x1024xf32> to vector<128x1024xf32>
    %add3A_424 = arith.addf %add3A_422, %add3A_423 : vector<128x1024xf32>
    %sub3A_425 = arith.subf %add3A_424, %mul3A_421 : vector<128x1024xf32>
    %add3A_426 = arith.constant 1.000000e-07 : f32
    %add3A_427 = vector.broadcast %add3A_426 : f32 to vector<128x1024xf32>
    %add3A_428 = arith.addf %sub3A_425, %add3A_427 : vector<128x1024xf32>
    %div3A_429 = arith.divf %mul3A_421, %add3A_428 : vector<128x1024xf32>
    %swap3A_430 = arith.constant 640 : index
    %swap3A_431 = arith.constant 0 : index
    %swap3A_432 = vector.load %arg9[%swap3A_430, %swap3A_431] : memref<1024x1024xf32, #tpu.memory_space<vmem>>, vector<128x1024xf32>
    tpu.vector_store %arg9[%swap3A_430, %swap3A_431], %div3A_429 {strides = array<i32>} : memref<1024x1024xf32, #tpu.memory_space<vmem>>, vector<128x1024xf32>,
    %get3A_433 = arith.constant 0 : index
    %get3A_434 = arith.constant 768 : index
    %get3A_435 = arith.constant 0 : index
    %get3A_436 = vector.load %arg5[%get3A_433, %get3A_434, %get3A_435] : memref<1x1024x1xf32, #tpu.memory_space<vmem>>, vector<1x128x1xf32>
    %get3A_437 = vector.shape_cast %get3A_436 : vector<1x128x1xf32> to vector<128x1xf32>
    %mul3A_438 = arith.constant 4.096000e+03 : f32
    %mul3A_439 = vector.broadcast %mul3A_438 : f32 to vector<128x1xf32>
    %mul3A_440 = arith.mulf %get3A_437, %mul3A_439 : vector<128x1xf32>
    %get3A_441 = arith.constant 0 : index
    %get3A_442 = arith.constant 768 : index
    %get3A_443 = arith.constant 0 : index
    %get3A_444 = vector.load %arg3[%get3A_441, %get3A_442, %get3A_443] : memref<1x1024x4xf32, #tpu.memory_space<vmem>>, vector<1x128x1xf32>
    %get3A_445 = vector.shape_cast %get3A_444 : vector<1x128x1xf32> to vector<128x1xf32>
    %add3A_446 = arith.addf %get3A_445, %mul3A_440 : vector<128x1xf32>
    %get3A_447 = arith.constant 0 : index
    %get3A_448 = arith.constant 768 : index
    %get3A_449 = arith.constant 1 : index
    %get3A_450 = vector.load %arg3[%get3A_447, %get3A_448, %get3A_449] : memref<1x1024x4xf32, #tpu.memory_space<vmem>>, vector<1x128x1xf32>
    %get3A_451 = vector.shape_cast %get3A_450 : vector<1x128x1xf32> to vector<128x1xf32>
    %add3A_452 = arith.addf %get3A_451, %mul3A_440 : vector<128x1xf32>
    %get3A_453 = arith.constant 0 : index
    %get3A_454 = arith.constant 768 : index
    %get3A_455 = arith.constant 2 : index
    %get3A_456 = vector.load %arg3[%get3A_453, %get3A_454, %get3A_455] : memref<1x1024x4xf32, #tpu.memory_space<vmem>>, vector<1x128x1xf32>
    %get3A_457 = vector.shape_cast %get3A_456 : vector<1x128x1xf32> to vector<128x1xf32>
    %add3A_458 = arith.addf %get3A_457, %mul3A_440 : vector<128x1xf32>
    %get3A_459 = arith.constant 0 : index
    %get3A_460 = arith.constant 768 : index
    %get3A_461 = arith.constant 3 : index
    %get3A_462 = vector.load %arg3[%get3A_459, %get3A_460, %get3A_461] : memref<1x1024x4xf32, #tpu.memory_space<vmem>>, vector<1x128x1xf32>
    %get3A_463 = vector.shape_cast %get3A_462 : vector<1x128x1xf32> to vector<128x1xf32>
    %add3A_464 = arith.addf %get3A_463, %mul3A_440 : vector<128x1xf32>
    %sub3A_465 = arith.subf %add3A_458, %add3A_446 : vector<128x1xf32>
    %sub3A_466 = arith.subf %add3A_464, %add3A_452 : vector<128x1xf32>
    %mul3A_467 = arith.mulf %sub3A_465, %sub3A_466 : vector<128x1xf32>
    %max3A_468 = vector.broadcast %add3A_446 : vector<128x1xf32> to vector<128x1024xf32>
    %max3A_469 = vector.broadcast %add3A : vector<1x1024xf32> to vector<128x1024xf32>
    %max3A_470 = arith.maximumf %max3A_468, %max3A_469 : vector<128x1024xf32>
    %max3A_471 = vector.broadcast %add3A_452 : vector<128x1xf32> to vector<128x1024xf32>
    %max3A_472 = vector.broadcast %add3A_21 : vector<1x1024xf32> to vector<128x1024xf32>
    %max3A_473 = arith.maximumf %max3A_471, %max3A_472 : vector<128x1024xf32>
    %min3A_474 = vector.broadcast %add3A_458 : vector<128x1xf32> to vector<128x1024xf32>
    %min3A_475 = vector.broadcast %add3A_27 : vector<1x1024xf32> to vector<128x1024xf32>
    %min3A_476 = arith.minimumf %min3A_474, %min3A_475 : vector<128x1024xf32>
    %min3A_477 = vector.broadcast %add3A_464 : vector<128x1xf32> to vector<128x1024xf32>
    %min3A_478 = vector.broadcast %add3A_33 : vector<1x1024xf32> to vector<128x1024xf32>
    %min3A_479 = arith.minimumf %min3A_477, %min3A_478 : vector<128x1024xf32>
    %sub3A_480 = arith.subf %min3A_476, %max3A_470 : vector<128x1024xf32>
    %jit3A_481 = arith.constant 0.000000e+00 : f32
    %max3A_482 = vector.broadcast %jit3A_481 : f32 to vector<128x1024xf32>
    %max3A_483 = arith.maximumf %max3A_482, %sub3A_480 : vector<128x1024xf32>
    %sub3A_484 = arith.subf %min3A_479, %max3A_473 : vector<128x1024xf32>
    %jit3A_485 = arith.constant 0.000000e+00 : f32
    %max3A_486 = vector.broadcast %jit3A_485 : f32 to vector<128x1024xf32>
    %max3A_487 = arith.maximumf %max3A_486, %sub3A_484 : vector<128x1024xf32>
    %mul3A_488 = arith.mulf %max3A_483, %max3A_487 : vector<128x1024xf32>
    %add3A_489 = vector.broadcast %mul3A_467 : vector<128x1xf32> to vector<128x1024xf32>
    %add3A_490 = vector.broadcast %mul3A_35 : vector<1x1024xf32> to vector<128x1024xf32>
    %add3A_491 = arith.addf %add3A_489, %add3A_490 : vector<128x1024xf32>
    %sub3A_492 = arith.subf %add3A_491, %mul3A_488 : vector<128x1024xf32>
    %add3A_493 = arith.constant 1.000000e-07 : f32
    %add3A_494 = vector.broadcast %add3A_493 : f32 to vector<128x1024xf32>
    %add3A_495 = arith.addf %sub3A_492, %add3A_494 : vector<128x1024xf32>
    %div3A_496 = arith.divf %mul3A_488, %add3A_495 : vector<128x1024xf32>
    %swap3A_497 = arith.constant 768 : index
    %swap3A_498 = arith.constant 0 : index
    %swap3A_499 = vector.load %arg9[%swap3A_497, %swap3A_498] : memref<1024x1024xf32, #tpu.memory_space<vmem>>, vector<128x1024xf32>
    tpu.vector_store %arg9[%swap3A_497, %swap3A_498], %div3A_496 {strides = array<i32>} : memref<1024x1024xf32, #tpu.memory_space<vmem>>, vector<128x1024xf32>,
    %get3A_500 = arith.constant 0 : index
    %get3A_501 = arith.constant 896 : index
    %get3A_502 = arith.constant 0 : index
    %get3A_503 = vector.load %arg5[%get3A_500, %get3A_501, %get3A_502] : memref<1x1024x1xf32, #tpu.memory_space<vmem>>, vector<1x128x1xf32>
    %get3A_504 = vector.shape_cast %get3A_503 : vector<1x128x1xf32> to vector<128x1xf32>
    %mul3A_505 = arith.constant 4.096000e+03 : f32
    %mul3A_506 = vector.broadcast %mul3A_505 : f32 to vector<128x1xf32>
    %mul3A_507 = arith.mulf %get3A_504, %mul3A_506 : vector<128x1xf32>
    %get3A_508 = arith.constant 0 : index
    %get3A_509 = arith.constant 896 : index
    %get3A_510 = arith.constant 0 : index
    %get3A_511 = vector.load %arg3[%get3A_508, %get3A_509, %get3A_510] : memref<1x1024x4xf32, #tpu.memory_space<vmem>>, vector<1x128x1xf32>
    %get3A_512 = vector.shape_cast %get3A_511 : vector<1x128x1xf32> to vector<128x1xf32>
    %add3A_513 = arith.addf %get3A_512, %mul3A_507 : vector<128x1xf32>
    %get3A_514 = arith.constant 0 : index
    %get3A_515 = arith.constant 896 : index
    %get3A_516 = arith.constant 1 : index
    %get3A_517 = vector.load %arg3[%get3A_514, %get3A_515, %get3A_516] : memref<1x1024x4xf32, #tpu.memory_space<vmem>>, vector<1x128x1xf32>
    %get3A_518 = vector.shape_cast %get3A_517 : vector<1x128x1xf32> to vector<128x1xf32>
    %add3A_519 = arith.addf %get3A_518, %mul3A_507 : vector<128x1xf32>
    %get3A_520 = arith.constant 0 : index
    %get3A_521 = arith.constant 896 : index
    %get3A_522 = arith.constant 2 : index
    %get3A_523 = vector.load %arg3[%get3A_520, %get3A_521, %get3A_522] : memref<1x1024x4xf32, #tpu.memory_space<vmem>>, vector<1x128x1xf32>
    %get3A_524 = vector.shape_cast %get3A_523 : vector<1x128x1xf32> to vector<128x1xf32>
    %add3A_525 = arith.addf %get3A_524, %mul3A_507 : vector<128x1xf32>
    %get3A_526 = arith.constant 0 : index
    %get3A_527 = arith.constant 896 : index
    %get3A_528 = arith.constant 3 : index
    %get3A_529 = vector.load %arg3[%get3A_526, %get3A_527, %get3A_528] : memref<1x1024x4xf32, #tpu.memory_space<vmem>>, vector<1x128x1xf32>
    %get3A_530 = vector.shape_cast %get3A_529 : vector<1x128x1xf32> to vector<128x1xf32>
    %add3A_531 = arith.addf %get3A_530, %mul3A_507 : vector<128x1xf32>
    %sub3A_532 = arith.subf %add3A_525, %add3A_513 : vector<128x1xf32>
    %sub3A_533 = arith.subf %add3A_531, %add3A_519 : vector<128x1xf32>
    %mul3A_534 = arith.mulf %sub3A_532, %sub3A_533 : vector<128x1xf32>
    %max3A_535 = vector.broadcast %add3A_513 : vector<128x1xf32> to vector<128x1024xf32>
    %max3A_536 = vector.broadcast %add3A : vector<1x1024xf32> to vector<128x1024xf32>
    %max3A_537 = arith.maximumf %max3A_535, %max3A_536 : vector<128x1024xf32>
    %max3A_538 = vector.broadcast %add3A_519 : vector<128x1xf32> to vector<128x1024xf32>
    %max3A_539 = vector.broadcast %add3A_21 : vector<1x1024xf32> to vector<128x1024xf32>
    %max3A_540 = arith.maximumf %max3A_538, %max3A_539 : vector<128x1024xf32>
    %min3A_541 = vector.broadcast %add3A_525 : vector<128x1xf32> to vector<128x1024xf32>
    %min3A_542 = vector.broadcast %add3A_27 : vector<1x1024xf32> to vector<128x1024xf32>
    %min3A_543 = arith.minimumf %min3A_541, %min3A_542 : vector<128x1024xf32>
    %min3A_544 = vector.broadcast %add3A_531 : vector<128x1xf32> to vector<128x1024xf32>
    %min3A_545 = vector.broadcast %add3A_33 : vector<1x1024xf32> to vector<128x1024xf32>
    %min3A_546 = arith.minimumf %min3A_544, %min3A_545 : vector<128x1024xf32>
    %sub3A_547 = arith.subf %min3A_543, %max3A_537 : vector<128x1024xf32>
    %jit3A_548 = arith.constant 0.000000e+00 : f32
    %max3A_549 = vector.broadcast %jit3A_548 : f32 to vector<128x1024xf32>
    %max3A_550 = arith.maximumf %max3A_549, %sub3A_547 : vector<128x1024xf32>
    %sub3A_551 = arith.subf %min3A_546, %max3A_540 : vector<128x1024xf32>
    %jit3A_552 = arith.constant 0.000000e+00 : f32
    %max3A_553 = vector.broadcast %jit3A_552 : f32 to vector<128x1024xf32>
    %max3A_554 = arith.maximumf %max3A_553, %sub3A_551 : vector<128x1024xf32>
    %mul3A_555 = arith.mulf %max3A_550, %max3A_554 : vector<128x1024xf32>
    %add3A_556 = vector.broadcast %mul3A_534 : vector<128x1xf32> to vector<128x1024xf32>
    %add3A_557 = vector.broadcast %mul3A_35 : vector<1x1024xf32> to vector<128x1024xf32>
    %add3A_558 = arith.addf %add3A_556, %add3A_557 : vector<128x1024xf32>
    %sub3A_559 = arith.subf %add3A_558, %mul3A_555 : vector<128x1024xf32>
    %add3A_560 = arith.constant 1.000000e-07 : f32
    %add3A_561 = vector.broadcast %add3A_560 : f32 to vector<128x1024xf32>
    %add3A_562 = arith.addf %sub3A_559, %add3A_561 : vector<128x1024xf32>
    %div3A_563 = arith.divf %mul3A_555, %add3A_562 : vector<128x1024xf32>
    %swap3A_564 = arith.constant 896 : index
    %swap3A_565 = arith.constant 0 : index
    %swap3A_566 = vector.load %arg9[%swap3A_564, %swap3A_565] : memref<1024x1024xf32, #tpu.memory_space<vmem>>, vector<128x1024xf32>
    tpu.vector_store %arg9[%swap3A_564, %swap3A_565], %div3A_563 {strides = array<i32>} : memref<1024x1024xf32, #tpu.memory_space<vmem>>, vector<128x1024xf32>,
    %gt3A = arith.constant 1.000000e-03 : f32
    %gt3A_567 = vector.broadcast %gt3A : f32 to vector<1x1024xf32>
    %gt3A_568 = arith.cmpf ogt, %get3A_3, %gt3A_567 : vector<1x1024xf32>
    %jit3A_569 = arith.constant 1.000000e+00 : f32
    %jit3A_570 = arith.constant 0.000000e+00 : f32
    %broadcast_in_dim3A = vector.broadcast %jit3A_569 : f32 to vector<1x1024xf32>
    %broadcast_in_dim3A_571 = vector.broadcast %jit3A_570 : f32 to vector<1x1024xf32>
    %select_n3A = arith.select %gt3A_568, %broadcast_in_dim3A, %broadcast_in_dim3A_571 : vector<1x1024xi1>, vector<1x1024xf32>
    %swap3A_572 = arith.constant 0 : index
    %swap3A_573 = arith.constant 0 : index
    %swap3A_574 = vector.load %arg10[%swap3A_572, %swap3A_573] : memref<1x1024xf32, #tpu.memory_space<vmem>>, vector<1x1024xf32>
    tpu.vector_store %arg10[%swap3A_572, %swap3A_573], %select_n3A {strides = array<i32>} : memref<1x1024xf32, #tpu.memory_space<vmem>>, vector<1x1024xf32>,
    %broadcast_in_dim3A_575 = arith.constant 0.000000e+00 : f32
    %broadcast_in_dim3A_576 = vector.broadcast %broadcast_in_dim3A_575 : f32 to vector<300x4xf32>
    %swap3A_577 = arith.constant 0 : index
    %swap3A_578 = arith.constant 0 : index
    %swap3A_579 = arith.constant 0 : index
    %swap3A_580 = vector.load %arg6[%swap3A_577, %swap3A_578, %swap3A_579] : memref<1x300x4xf32, #tpu.memory_space<vmem>>, vector<1x300x4xf32>
    %swap3A_581 = vector.shape_cast %swap3A_580 : vector<1x300x4xf32> to vector<300x4xf32>
    %swap3A_582 = vector.shape_cast %broadcast_in_dim3A_576 : vector<300x4xf32> to vector<1x300x4xf32>
    tpu.vector_store %arg6[%swap3A_577, %swap3A_578, %swap3A_579], %swap3A_582 {strides = array<i32>} : memref<1x300x4xf32, #tpu.memory_space<vmem>>, vector<1x300x4xf32>,
    %broadcast_in_dim3A_583 = arith.constant 0.000000e+00 : f32
    %broadcast_in_dim3A_584 = vector.broadcast %broadcast_in_dim3A_583 : f32 to vector<300x1xf32>
    %swap3A_585 = arith.constant 0 : index
    %swap3A_586 = arith.constant 0 : index
    %swap3A_587 = arith.constant 0 : index
    %swap3A_588 = vector.load %arg7[%swap3A_585, %swap3A_586, %swap3A_587] : memref<1x300x1xf32, #tpu.memory_space<vmem>>, vector<1x300x1xf32>
    %swap3A_589 = vector.shape_cast %swap3A_588 : vector<1x300x1xf32> to vector<300x1xf32>
    %swap3A_590 = vector.shape_cast %broadcast_in_dim3A_584 : vector<300x1xf32> to vector<1x300x1xf32>
    tpu.vector_store %arg7[%swap3A_585, %swap3A_586, %swap3A_587], %swap3A_590 {strides = array<i32>} : memref<1x300x1xf32, #tpu.memory_space<vmem>>, vector<1x300x1xf32>,
    %broadcast_in_dim3A_591 = arith.constant 0.000000e+00 : f32
    %broadcast_in_dim3A_592 = vector.broadcast %broadcast_in_dim3A_591 : f32 to vector<300x1xf32>
    %swap3A_593 = arith.constant 0 : index
    %swap3A_594 = arith.constant 0 : index
    %swap3A_595 = arith.constant 0 : index
    %swap3A_596 = vector.load %arg8[%swap3A_593, %swap3A_594, %swap3A_595] : memref<1x300x1xf32, #tpu.memory_space<vmem>>, vector<1x300x1xf32>
    %swap3A_597 = vector.shape_cast %swap3A_596 : vector<1x300x1xf32> to vector<300x1xf32>
    %swap3A_598 = vector.shape_cast %broadcast_in_dim3A_592 : vector<300x1xf32> to vector<1x300x1xf32>
    tpu.vector_store %arg8[%swap3A_593, %swap3A_594, %swap3A_595], %swap3A_598 {strides = array<i32>} : memref<1x300x1xf32, #tpu.memory_space<vmem>>, vector<1x300x1xf32>,
    %iota3A = tpu.iota {dimensions = array<i32: 1>} : vector<1x1024xi32>
    %scan3A = arith.constant 0 : i32
    %scan3A_599 = arith.constant 0 : i32
    %scan3A_600 = arith.constant 1024 : i32
    %scan3A_601 = arith.addi %scan3A_599, %scan3A_600 : i32
    %scan3A_602 = arith.constant 1 : i32
    %scan3A_603 = scf.for %scan3A_677 = %scan3A_599 to %scan3A_601 step %scan3A_602 iter_args(%scan3A_678 = %scan3A) -> (i32)  : i32 {
      %eq3A = vector.broadcast %scan3A_677 : i32 to vector<1x1024xi32>
      %eq3A_679 = arith.cmpi eq, %iota3A, %eq3A : vector<1x1024xi32>
      %get3A_680 = arith.constant 0 : index
      %get3A_681 = arith.constant 0 : index
      %get3A_682 = vector.load %arg10[%get3A_680, %get3A_681] : memref<1x1024xf32, #tpu.memory_space<vmem>>, vector<1x1024xf32>
      %jit3A_683 = arith.constant 0.000000e+00 : f32
      %broadcast_in_dim3A_684 = vector.broadcast %jit3A_683 : f32 to vector<1x1024xf32>
      %select_n3A_685 = arith.select %eq3A_679, %get3A_682, %broadcast_in_dim3A_684 : vector<1x1024xi1>, vector<1x1024xf32>
      %reduce_sum3A = vector.shape_cast %select_n3A_685 : vector<1x1024xf32> to vector<1x1x1024xf32>
      %reduce_sum3A_686 = arith.constant dense<0.000000e+00> : vector<1xf32>
      %reduce_sum3A_687 = vector.multi_reduction <add>, %reduce_sum3A, %reduce_sum3A_686 [1, 2] : vector<1x1x1024xf32> to vector<1xf32>
      %reduce_sum3A_688 = vector.shape_cast %reduce_sum3A_687 : vector<1xf32> to vector<1x1x1xf32>
      %reduce_sum3A_689 = vector.extract %reduce_sum3A_688[0, 0, 0] : f32 from vector<1x1x1xf32>
      %get3A_690 = arith.index_cast %scan3A_677 : i32 to index
      %get3A_691 = arith.constant 0 : index
      %get3A_692 = vector.load %arg9[%get3A_690, %get3A_691] : memref<1024x1024xf32, #tpu.memory_space<vmem>>, vector<1x1024xf32>
      %gt3A_693 = arith.constant 4.500000e-01 : f32
      %gt3A_694 = vector.broadcast %gt3A_693 : f32 to vector<1x1024xf32>
      %gt3A_695 = arith.cmpf ogt, %get3A_692, %gt3A_694 : vector<1x1024xf32>
      %gt3A_696 = vector.broadcast %scan3A_677 : i32 to vector<1x1024xi32>
      %gt3A_697 = arith.cmpi sgt, %iota3A, %gt3A_696 : vector<1x1024xi32>
      %and3A_698 = arith.andi %gt3A_695, %gt3A_697 : vector<1x1024xi1>
      %convert_element_type3A_699 = arith.extui %and3A_698 : vector<1x1024xi1> to vector<1x1024xi32>
      %convert_element_type3A_700 = arith.sitofp %convert_element_type3A_699 : vector<1x1024xi32> to vector<1x1024xf32>
      %mul3A_701 = vector.broadcast %reduce_sum3A_689 : f32 to vector<1x1024xf32>
      %mul3A_702 = arith.mulf %mul3A_701, %convert_element_type3A_700 : vector<1x1024xf32>
      %sub3A_703 = arith.constant 1.000000e+00 : f32
      %sub3A_704 = vector.broadcast %sub3A_703 : f32 to vector<1x1024xf32>
      %sub3A_705 = arith.subf %sub3A_704, %mul3A_702 : vector<1x1024xf32>
      %mul3A_706 = arith.mulf %get3A_682, %sub3A_705 : vector<1x1024xf32>
      %swap3A_707 = arith.constant 0 : index
      %swap3A_708 = arith.constant 0 : index
      %swap3A_709 = vector.load %arg10[%swap3A_707, %swap3A_708] : memref<1x1024xf32, #tpu.memory_space<vmem>>, vector<1x1024xf32>
      tpu.vector_store %arg10[%swap3A_707, %swap3A_708], %mul3A_706 {strides = array<i32>} : memref<1x1024xf32, #tpu.memory_space<vmem>>, vector<1x1024xf32>,
      %gt3A_710 = arith.constant 5.000000e-01 : f32
      %gt3A_711 = arith.cmpf ogt, %reduce_sum3A_689, %gt3A_710 : f32
      %lt3A = arith.constant 300 : i32
      %lt3A_712 = arith.cmpi slt, %scan3A_678, %lt3A : i32
      %and3A_713 = arith.andi %gt3A_711, %lt3A_712 : i1
      %convert_element_type3A_714 = arith.extui %and3A_713 : i1 to i32
      %cond3A = arith.constant 0 : i32
      %cond3A_715 = arith.cmpi ne, %convert_element_type3A_714, %cond3A : i32
      scf.if %cond3A_715 {
        %get3A_718 = arith.constant 0 : index
        %get3A_719 = arith.constant 0 : index
        %get3A_720 = arith.constant 0 : index
        %get3A_721 = vector.load %arg1[%get3A_718, %get3A_719, %get3A_720] : memref<1x1x1024xf32, #tpu.memory_space<vmem>>, vector<1x1x1024xf32>
        %get3A_722 = vector.shape_cast %get3A_721 : vector<1x1x1024xf32> to vector<1x1024xf32>
        %jit3A_723 = arith.constant 0.000000e+00 : f32
        %broadcast_in_dim3A_724 = vector.broadcast %jit3A_723 : f32 to vector<1x1024xf32>
        %select_n3A_725 = arith.select %eq3A_679, %get3A_722, %broadcast_in_dim3A_724 : vector<1x1024xi1>, vector<1x1024xf32>
        %reduce_sum3A_726 = vector.shape_cast %select_n3A_725 : vector<1x1024xf32> to vector<1x1x1024xf32>
        %reduce_sum3A_727 = arith.constant dense<0.000000e+00> : vector<1xf32>
        %reduce_sum3A_728 = vector.multi_reduction <add>, %reduce_sum3A_726, %reduce_sum3A_727 [1, 2] : vector<1x1x1024xf32> to vector<1xf32>
        %reduce_sum3A_729 = vector.shape_cast %reduce_sum3A_728 : vector<1xf32> to vector<1x1x1xf32>
        %reduce_sum3A_730 = vector.extract %reduce_sum3A_729[0, 0, 0] : f32 from vector<1x1x1xf32>
        %get3A_731 = arith.constant 0 : index
        %get3A_732 = arith.constant 0 : index
        %get3A_733 = arith.constant 0 : index
        %get3A_734 = vector.load %arg4[%get3A_731, %get3A_732, %get3A_733] : memref<1x1x1024xf32, #tpu.memory_space<vmem>>, vector<1x1x1024xf32>
        %get3A_735 = vector.shape_cast %get3A_734 : vector<1x1x1024xf32> to vector<1x1024xf32>
        %jit3A_736 = arith.constant 0.000000e+00 : f32
        %broadcast_in_dim3A_737 = vector.broadcast %jit3A_736 : f32 to vector<1x1024xf32>
        %select_n3A_738 = arith.select %eq3A_679, %get3A_735, %broadcast_in_dim3A_737 : vector<1x1024xi1>, vector<1x1024xf32>
        %reduce_sum3A_739 = vector.shape_cast %select_n3A_738 : vector<1x1024xf32> to vector<1x1x1024xf32>
        %reduce_sum3A_740 = arith.constant dense<0.000000e+00> : vector<1xf32>
        %reduce_sum3A_741 = vector.multi_reduction <add>, %reduce_sum3A_739, %reduce_sum3A_740 [1, 2] : vector<1x1x1024xf32> to vector<1xf32>
        %reduce_sum3A_742 = vector.shape_cast %reduce_sum3A_741 : vector<1xf32> to vector<1x1x1xf32>
        %reduce_sum3A_743 = vector.extract %reduce_sum3A_742[0, 0, 0] : f32 from vector<1x1x1xf32>
        %get3A_744 = arith.constant 0 : index
        %get3A_745 = arith.index_cast %scan3A_677 : i32 to index
        %get3A_746 = arith.constant 0 : index
        %get3A_747 = vector.load %arg3[%get3A_744, %get3A_745, %get3A_746] : memref<1x1024x4xf32, #tpu.memory_space<vmem>>, vector<1x1x4xf32>
        %get3A_748 = vector.shape_cast %get3A_747 : vector<1x1x4xf32> to vector<1x4xf32>
        %swap3A_749 = arith.constant 0 : index
        %swap3A_750 = arith.index_cast %scan3A_678 : i32 to index
        %swap3A_751 = arith.constant 0 : index
        %swap3A_752 = vector.load %arg6[%swap3A_749, %swap3A_750, %swap3A_751] : memref<1x300x4xf32, #tpu.memory_space<vmem>>, vector<1x1x4xf32>
        %swap3A_753 = vector.shape_cast %swap3A_752 : vector<1x1x4xf32> to vector<1x4xf32>
        %swap3A_754 = vector.shape_cast %get3A_748 : vector<1x4xf32> to vector<1x1x4xf32>
        tpu.vector_store %arg6[%swap3A_749, %swap3A_750, %swap3A_751], %swap3A_754 {strides = array<i32>} : memref<1x300x4xf32, #tpu.memory_space<vmem>>, vector<1x1x4xf32>,
        %reshape3A = vector.broadcast %reduce_sum3A_730 : f32 to vector<1x1xf32>
        %swap3A_755 = arith.constant 0 : index
        %swap3A_756 = arith.index_cast %scan3A_678 : i32 to index
        %swap3A_757 = arith.constant 0 : index
        %swap3A_758 = vector.load %arg7[%swap3A_755, %swap3A_756, %swap3A_757] : memref<1x300x1xf32, #tpu.memory_space<vmem>>, vector<1x1x1xf32>
        %swap3A_759 = vector.shape_cast %swap3A_758 : vector<1x1x1xf32> to vector<1x1xf32>
        %swap3A_760 = vector.shape_cast %reshape3A : vector<1x1xf32> to vector<1x1x1xf32>
        tpu.vector_store %arg7[%swap3A_755, %swap3A_756, %swap3A_757], %swap3A_760 {strides = array<i32>} : memref<1x300x1xf32, #tpu.memory_space<vmem>>, vector<1x1x1xf32>,
        %reshape3A_761 = vector.broadcast %reduce_sum3A_743 : f32 to vector<1x1xf32>
        %swap3A_762 = arith.constant 0 : index
        %swap3A_763 = arith.index_cast %scan3A_678 : i32 to index
        %swap3A_764 = arith.constant 0 : index
        %swap3A_765 = vector.load %arg8[%swap3A_762, %swap3A_763, %swap3A_764] : memref<1x300x1xf32, #tpu.memory_space<vmem>>, vector<1x1x1xf32>
        %swap3A_766 = vector.shape_cast %swap3A_765 : vector<1x1x1xf32> to vector<1x1xf32>
        %swap3A_767 = vector.shape_cast %reshape3A_761 : vector<1x1xf32> to vector<1x1x1xf32>
        tpu.vector_store %arg8[%swap3A_762, %swap3A_763, %swap3A_764], %swap3A_767 {strides = array<i32>} : memref<1x300x1xf32, #tpu.memory_space<vmem>>, vector<1x1x1xf32>,
      } else {
      }
      %convert_element_type3A_716 = arith.extui %and3A_713 : i1 to i32
      %add3A_717 = arith.addi %scan3A_678, %convert_element_type3A_716 : i32
      scf.yield %add3A_717 : i32
    }
    %scan3A_604 = arith.constant 1024 : i32
    %get3A_605 = arith.constant 0 : index
    %get3A_606 = arith.constant 0 : index
    %get3A_607 = arith.constant 0 : index
    %get3A_608 = vector.load %arg6[%get3A_605, %get3A_606, %get3A_607] : memref<1x300x4xf32, #tpu.memory_space<vmem>>, vector<1x300x4xf32>
    %get3A_609 = vector.shape_cast %get3A_608 : vector<1x300x4xf32> to vector<300x4xf32>
    %jit3A_610 = arith.constant 0.000000e+00 : f32
    %jit3A_611 = arith.constant 5.120000e+02 : f32
    %max3A_612 = vector.broadcast %jit3A_610 : f32 to vector<300x4xf32>
    %max3A_613 = arith.maximumf %max3A_612, %get3A_609 : vector<300x4xf32>
    %min3A_614 = vector.broadcast %jit3A_611 : f32 to vector<300x4xf32>
    %min3A_615 = arith.minimumf %min3A_614, %max3A_613 : vector<300x4xf32>
    %get3A_616 = arith.constant 0 : index
    %get3A_617 = arith.constant 0 : index
    %get3A_618 = arith.constant 0 : index
    %get3A_619 = vector.load %arg7[%get3A_616, %get3A_617, %get3A_618] : memref<1x300x1xf32, #tpu.memory_space<vmem>>, vector<1x300x1xf32>
    %get3A_620 = vector.shape_cast %get3A_619 : vector<1x300x1xf32> to vector<300x1xf32>
    %get3A_621 = arith.constant 0 : index
    %get3A_622 = arith.constant 0 : index
    %get3A_623 = arith.constant 0 : index
    %get3A_624 = vector.load %arg8[%get3A_621, %get3A_622, %get3A_623] : memref<1x300x1xf32, #tpu.memory_space<vmem>>, vector<1x300x1xf32>
    %get3A_625 = vector.shape_cast %get3A_624 : vector<1x300x1xf32> to vector<300x1xf32>
    %slice3A = vector.extract_strided_slice %min3A_615 {offsets = [0, 0], sizes = [300, 1], strides = [1, 1]} : vector<300x4xf32> to vector<300x1xf32>
    %slice3A_626 = vector.extract_strided_slice %min3A_615 {offsets = [0, 1], sizes = [300, 1], strides = [1, 1]} : vector<300x4xf32> to vector<300x1xf32>
    %slice3A_627 = vector.extract_strided_slice %min3A_615 {offsets = [0, 2], sizes = [300, 1], strides = [1, 1]} : vector<300x4xf32> to vector<300x1xf32>
    %slice3A_628 = vector.extract_strided_slice %min3A_615 {offsets = [0, 3], sizes = [300, 1], strides = [1, 1]} : vector<300x4xf32> to vector<300x1xf32>
    %gt3A_629 = arith.cmpf ogt, %slice3A_627, %slice3A : vector<300x1xf32>
    %gt3A_630 = arith.cmpf ogt, %slice3A_628, %slice3A_626 : vector<300x1xf32>
    %and3A = arith.andi %gt3A_629, %gt3A_630 : vector<300x1xi1>
    %sub3A_631 = arith.subf %slice3A_627, %slice3A : vector<300x1xf32>
    %ge3A = arith.constant 1.000000e+00 : f32
    %ge3A_632 = vector.broadcast %ge3A : f32 to vector<300x1xf32>
    %ge3A_633 = arith.cmpf oge, %sub3A_631, %ge3A_632 : vector<300x1xf32>
    %and3A_634 = arith.andi %and3A, %ge3A_633 : vector<300x1xi1>
    %sub3A_635 = arith.subf %slice3A_628, %slice3A_626 : vector<300x1xf32>
    %ge3A_636 = arith.constant 1.000000e+00 : f32
    %ge3A_637 = vector.broadcast %ge3A_636 : f32 to vector<300x1xf32>
    %ge3A_638 = arith.cmpf oge, %sub3A_635, %ge3A_637 : vector<300x1xf32>
    %and3A_639 = arith.andi %and3A_634, %ge3A_638 : vector<300x1xi1>
    %gt3A_640 = arith.constant 0.000000e+00 : f32
    %gt3A_641 = vector.broadcast %gt3A_640 : f32 to vector<300x1xf32>
    %gt3A_642 = arith.cmpf ogt, %get3A_620, %gt3A_641 : vector<300x1xf32>
    %and3A_643 = arith.andi %gt3A_642, %and3A_639 : vector<300x1xi1>
    %convert_element_type3A = arith.extui %and3A_643 : vector<300x1xi1> to vector<300x1xi32>
    %convert_element_type3A_644 = arith.sitofp %convert_element_type3A : vector<300x1xi32> to vector<300x1xf32>
    %min3A_645 = arith.minimumf %slice3A, %slice3A_627 : vector<300x1xf32>
    %max3A_646 = arith.maximumf %slice3A, %slice3A_627 : vector<300x1xf32>
    %min3A_647 = arith.minimumf %slice3A_626, %slice3A_628 : vector<300x1xf32>
    %max3A_648 = arith.maximumf %slice3A_626, %slice3A_628 : vector<300x1xf32>
    %concatenate3A = tpu.concatenate %min3A_645, %min3A_647, %max3A_646, %max3A_648 in 1 : vector<300x1xf32>, vector<300x1xf32>, vector<300x1xf32>, vector<300x1xf32> -> vector<300x4xf32>
    %mul3A_649 = vector.broadcast %convert_element_type3A_644 : vector<300x1xf32> to vector<300x4xf32>
    %mul3A_650 = arith.mulf %concatenate3A, %mul3A_649 : vector<300x4xf32>
    %swap3A_651 = arith.constant 0 : index
    %swap3A_652 = arith.constant 0 : index
    %swap3A_653 = arith.constant 0 : index
    %swap3A_654 = vector.load %arg6[%swap3A_651, %swap3A_652, %swap3A_653] : memref<1x300x4xf32, #tpu.memory_space<vmem>>, vector<1x300x4xf32>
    %swap3A_655 = vector.shape_cast %swap3A_654 : vector<1x300x4xf32> to vector<300x4xf32>
    %swap3A_656 = vector.shape_cast %mul3A_650 : vector<300x4xf32> to vector<1x300x4xf32>
    tpu.vector_store %arg6[%swap3A_651, %swap3A_652, %swap3A_653], %swap3A_656 {strides = array<i32>} : memref<1x300x4xf32, #tpu.memory_space<vmem>>, vector<1x300x4xf32>,
    %mul3A_657 = arith.mulf %get3A_620, %convert_element_type3A_644 : vector<300x1xf32>
    %swap3A_658 = arith.constant 0 : index
    %swap3A_659 = arith.constant 0 : index
    %swap3A_660 = arith.constant 0 : index
    %swap3A_661 = vector.load %arg7[%swap3A_658, %swap3A_659, %swap3A_660] : memref<1x300x1xf32, #tpu.memory_space<vmem>>, vector<1x300x1xf32>
    %swap3A_662 = vector.shape_cast %swap3A_661 : vector<1x300x1xf32> to vector<300x1xf32>
    %swap3A_663 = vector.shape_cast %mul3A_657 : vector<300x1xf32> to vector<1x300x1xf32>
    tpu.vector_store %arg7[%swap3A_658, %swap3A_659, %swap3A_660], %swap3A_663 {strides = array<i32>} : memref<1x300x1xf32, #tpu.memory_space<vmem>>, vector<1x300x1xf32>,
    %jit3A_664 = arith.constant 0.000000e+00 : f32
    %jit3A_665 = arith.constant 1.900000e+01 : f32
    %max3A_666 = vector.broadcast %jit3A_664 : f32 to vector<300x1xf32>
    %max3A_667 = arith.maximumf %max3A_666, %get3A_625 : vector<300x1xf32>
    %min3A_668 = vector.broadcast %jit3A_665 : f32 to vector<300x1xf32>
    %min3A_669 = arith.minimumf %min3A_668, %max3A_667 : vector<300x1xf32>
    %mul3A_670 = arith.mulf %min3A_669, %convert_element_type3A_644 : vector<300x1xf32>
    %swap3A_671 = arith.constant 0 : index
    %swap3A_672 = arith.constant 0 : index
    %swap3A_673 = arith.constant 0 : index
    %swap3A_674 = vector.load %arg8[%swap3A_671, %swap3A_672, %swap3A_673] : memref<1x300x1xf32, #tpu.memory_space<vmem>>, vector<1x300x1xf32>
    %swap3A_675 = vector.shape_cast %swap3A_674 : vector<1x300x1xf32> to vector<300x1xf32>
    %swap3A_676 = vector.shape_cast %mul3A_670 : vector<300x1xf32> to vector<1x300x1xf32>
    tpu.vector_store %arg8[%swap3A_671, %swap3A_672, %swap3A_673], %swap3A_676 {strides = array<i32>} : memref<1x300x1xf32, #tpu.memory_space<vmem>>, vector<1x300x1xf32>,
    return
  }
  func.func @transform_0(%arg0: i32) -> (i32, i32, i32) {
    %c0_i32 = arith.constant 0 : i32
    %c0_i32_0 = arith.constant 0 : i32
    %c0_i32_1 = arith.constant 0 : i32
    return %arg0, %c0_i32, %c0_i32_0 : i32, i32, i32
  }
  func.func @transform_1(%arg0: i32) -> (i32, i32, i32) {
    %c0_i32 = arith.constant 0 : i32
    %c0_i32_0 = arith.constant 0 : i32
    %c0_i32_1 = arith.constant 0 : i32
    return %arg0, %c0_i32, %c0_i32_0 : i32, i32, i32
  }
  func.func @transform_2(%arg0: i32) -> (i32, i32, i32) {
    %c0_i32 = arith.constant 0 : i32
    %c0_i32_0 = arith.constant 0 : i32
    %c0_i32_1 = arith.constant 0 : i32
    return %arg0, %c0_i32, %c0_i32_0 : i32, i32, i32
  }
  func.func @transform_3(%arg0: i32) -> (i32, i32, i32) {
    %c0_i32 = arith.constant 0 : i32
    %c0_i32_0 = arith.constant 0 : i32
    %c0_i32_1 = arith.constant 0 : i32
    return %arg0, %c0_i32, %c0_i32_0 : i32, i32, i32
  }
  func.func @transform_4(%arg0: i32) -> (i32, i32, i32) {
    %c0_i32 = arith.constant 0 : i32
    %c0_i32_0 = arith.constant 0 : i32
    %c0_i32_1 = arith.constant 0 : i32
    return %arg0, %c0_i32, %c0_i32_0 : i32, i32, i32
  }
  func.func @transform_5(%arg0: i32) -> (i32, i32, i32) {
    %c0_i32 = arith.constant 0 : i32
    %c0_i32_0 = arith.constant 0 : i32
    %c0_i32_1 = arith.constant 0 : i32
    return %arg0, %c0_i32, %c0_i32_0 : i32, i32, i32
  }
  func.func @transform_6(%arg0: i32) -> (i32, i32, i32) {
    %c0_i32 = arith.constant 0 : i32
    %c0_i32_0 = arith.constant 0 : i32
    %c0_i32_1 = arith.constant 0 : i32
    return %arg0, %c0_i32, %c0_i32_0 : i32, i32, i32
  }
  func.func @transform_7(%arg0: i32) -> (i32, i32, i32) {
    %c0_i32 = arith.constant 0 : i32
    %c0_i32_0 = arith.constant 0 : i32
    %c0_i32_1 = arith.constant 0 : i32
    return %arg0, %c0_i32, %c0_i32_0 : i32, i32, i32
  }
}

</mosaic_0001>

<sc_bundles>
// kernel: gather_offload_async_start.1
scs
__scs_entry_jumppad:
0x0: {  	(pc) =	sbr.rel $0x88, $3  }
0x1: {  	(tag) =	ssettag $0x0;
	lr =	simm.s32 $0x1  }
0x2: {  	[smem:$0x3F9E] =	sst lr;
	_ =	strace $0xD0000000  }
0x3: {  	_ = 	snop  }
0x4: {  	_ = 	snop  }
0x5: {  	_ = 	snop  }
0x6: {  	_ = 	snop  }
0x7: {  	_ = 	snop  }
__scs_overlays_trampoline_lowered:
0x8: {  	[smem:$0x3FAD] =	sst s0  }
0x9: {  	[smem:$0x3FAE] =	sst s1  }
0xa: {  	[smem:$0x3FAF] =	sst s2  }
0xb: {  	[smem:$0x3FB0] =	sst s3  }
0xc: {  	[smem:$0x3FB1] =	sst s4  }
0xd: {  	[smem:$0x3FB2] =	sst s5  }
0xe: {  	[smem:$0x3FB3] =	sst s6  }
0xf: {  	[smem:$0x3FB4] =	sst s7  }
0x10: {  	[smem:$0x3FB5] =	sst s8  }
0x11: {  	[smem:$0x3FB6] =	sst s9;
	s0 =	simm.s32 @!p0 $0x0  }
0x12: {  	s1 =	sld [smem:$0x3F9C];
	s0 =	simm.s32 @p0 $0x1  }
0x13: {  	[smem:$0x3FB7] =	sst s0;
	s0 =	simm.s32 @!p1 $0x0  }
0x14: {  	s2 =	sld [smem:$0x3F9B];
	s0 =	simm.s32 @p1 $0x1  }
0x15: {  	[smem:$0x3FB8] =	sst s0;
	s0 =	simm.s32 @!p2 $0x0  }
0x16: {  	s3 =	sld [smem:$0x3FDB];
	s0 =	simm.s32 @p2 $0x1  }
0x17: {  	s4 =	simm.s32 $0x1BF5;
	[smem:$0x3FBA] =	sst s0  }
0x18: {  	s0 =	sld [smem:$0x3F9D];
	_ =	swait.ge [sflag:s4], $0x0  }
0x19: {  	s7 =	sld [smem:$0x3F9E]  }
0x1a: {  	s8 =	sadd.s32 $0xFFFFE003, lr  }
0x1b: {  	s9 =	sadd.s32 $0xFFFFFEF7, lr;
	s5 =	simm.s32 $0xFFFFFFFF;
	p2 =	slt.u32 s8, $0xFFFFF086  }
0x1c: {  	p1 =	slt.u32 s9, $0xF7A;
	s5 =	simm.s32 @!p2 $0x0  }
0x1d: {  	s5 =	simm.s32 @p1 $0x1;
	p0 =	seq.s32 s7, s2  }
0x1e: {  	s7 =	smul.u32 @!p0 $0xF7A, s2;
	p2 =	seq.s32 @!p0 s5, $0x0  }
0x1f: {  	s9 =	smul.u32 $0xF7A, s1;
	s8 =	simm.s32 @!p0 $0x1BF5;
	p2 =	por !p2, p0  }
0x20: {  	[sflag:s8] =	ssyncset.s32 @!p0 $0xFFFFF086;
	s6 =	sadd.s32 @!p0 s3, s7;
	s7 =	simm.s32 @!p0 $0x108  }
0x21: {  	s3 =	sadd.s32 s3, s9;
	s6 =	sadd.s32 @!p0 $0x88, s6;
	s7 =	simm.s32 @p2 $0x1082  }
0x22: {  	[simem:s7], [sflag:s8] =	dma.local @!p0 [hbm:s6], $0xF7A  }
0x23: {  	s9 =	sor.u32 $0xD0000000, s2;
	s6 =	simm.s32 $0x108;
	_ =	swait.ge @!p0 [sflag:s8], $0x0  }
0x24: {  	s3 =	sadd.s32 $0x88, s3;
	s6 =	simm.s32 @!p1 $0x1082;
	[sflag:s4] =	ssyncset.s32 $0xFFFFF086  }
0x25: {  	[simem:s6], [sflag:s4] =	dma.local [hbm:s3], $0xF7A  }
0x26: {  	[smem:$0x3F9E] =	sst s1;
	(tag) =	ssettag s2;
	_ =	strace s9  }
0x27: {  	s1 =	sld [smem:$0x3FAE]  }
0x28: {  	s2 =	sld [smem:$0x3FAF]  }
0x29: {  	s4 =	sld [smem:$0x3FB1]  }
0x2a: {  	p0 =	seq.s32 s5, $0x0;
	s5 =	sld [smem:$0x3FB2]  }
0x2b: {  	s6 =	sld [smem:$0x3FB3]  }
0x2c: {  	s7 =	sld [smem:$0x3FB4]  }
0x2d: {  	s3 =	simm.s32 $0x108;
	s8 =	sld [smem:$0x3FB5]  }
0x2e: {  	s3 =	simm.s32 @!p0 $0x1082;
	s9 =	sld [smem:$0x3FB6]  }
0x2f: {  	lr =	sadd.s32 s0, s3;
	s0 =	sld [smem:$0x3FAD]  }
0x30: {  	s3 =	sld [smem:$0x3FB0]  }
0x31: {  	[smem:$0x3FB9] =	sst s10  }
0x32: {  	s10 =	sld [smem:$0x3FB7];
	_ =	sdelay $0x3  }
0x33: {  	p0 =	seq.s32 s10, $0x1;
	s10 =	sld [smem:$0x3FB9];
	_ =	sdelay $0x3  }
0x34: {  	[smem:$0x3FB9] =	sst s10  }
0x35: {  	s10 =	sld [smem:$0x3FB8];
	_ =	sdelay $0x3  }
0x36: {  	p1 =	seq.s32 s10, $0x1;
	s10 =	sld [smem:$0x3FB9];
	_ =	sdelay $0x3  }
0x37: {  	[smem:$0x3FB9] =	sst s10  }
0x38: {  	s10 =	sld [smem:$0x3FBA]  }
0x39: {  	_ = 	snop;
	(pc) =	sbr.ind lr, $3  }
0x3a: {  	_ = 	snop  }
0x3b: {  	_ = 	snop  }
0x3c: {  	p2 =	seq.s32 s10, $0x1;
	s10 =	sld [smem:$0x3FB9]  }
0x3d: {  	_ =	shalt  }
0x3e: {  	_ =	shalt  }
0x3f: {  	_ =	shalt  }
0x40: {  	_ =	shalt  }
0x41: {  	_ =	shalt  }
0x42: {  	_ =	shalt  }
0x43: {  	_ =	shalt  }
0x44: {  	_ =	shalt  }
0x45: {  	_ =	shalt  }
0x46: {  	_ =	shalt  }
0x47: {  	_ =	shalt  }
0x48: {  	_ =	shalt  }
0x49: {  	_ =	shalt  }
0x4a: {  	_ =	shalt  }
0x4b: {  	_ =	shalt  }
0x4c: {  	_ =	shalt  }
0x4d: {  	_ =	shalt  }
0x4e: {  	_ =	shalt  }
0x4f: {  	_ =	shalt  }
0x50: {  	_ =	shalt  }
0x51: {  	_ =	shalt  }
0x52: {  	_ =	shalt  }
0x53: {  	_ =	shalt  }
0x54: {  	_ =	shalt  }
0x55: {  	_ =	shalt  }
0x56: {  	_ =	shalt  }
0x57: {  	_ =	shalt  }
0x58: {  	_ =	shalt  }
0x59: {  	_ =	shalt  }
0x5a: {  	_ =	shalt  }
0x5b: {  	_ =	shalt  }
0x5c: {  	_ =	shalt  }
0x5d: {  	_ =	shalt  }
0x5e: {  	_ =	shalt  }
0x5f: {  	_ =	shalt  }
0x60: {  	_ =	shalt  }
0x61: {  	_ =	shalt  }
0x62: {  	_ =	shalt  }
0x63: {  	_ =	shalt  }
0x64: {  	_ =	shalt  }
0x65: {  	_ =	shalt  }
0x66: {  	_ =	shalt  }
0x67: {  	_ =	shalt  }
0x68: {  	_ =	shalt  }
0x69: {  	_ =	shalt  }
0x6a: {  	_ =	shalt  }
0x6b: {  	_ =	shalt  }
0x6c: {  	_ =	shalt  }
0x6d: {  	_ =	shalt  }
0x6e: {  	_ =	shalt  }
0x6f: {  	_ =	shalt  }
0x70: {  	_ =	shalt  }
0x71: {  	_ =	shalt  }
0x72: {  	_ =	shalt  }
0x73: {  	_ =	shalt  }
0x74: {  	_ =	shalt  }
0x75: {  	_ =	shalt  }
0x76: {  	_ =	shalt  }
0x77: {  	_ =	shalt  }
0x78: {  	_ =	shalt  }
0x79: {  	_ =	shalt  }
0x7a: {  	_ =	shalt  }
0x7b: {  	_ =	shalt  }
0x7c: {  	_ =	shalt  }
0x7d: {  	_ =	shalt  }
0x7e: {  	_ =	shalt  }
0x7f: {  	_ =	shalt  }
0x80: {  	_ =	shalt  }
0x81: {  	_ =	shalt  }
0x82: {  	_ =	shalt  }
0x83: {  	_ =	shalt  }
0x84: {  	_ =	shalt  }
0x85: {  	_ =	shalt  }
0x86: {  	_ =	shalt  }
0x87: {  	_ =	shalt  }
.Lfunc_end0:
.L_simem_size_0:
called_computation.1_lowered:
.L_overlay_start_0:
0x88: {  	s2 =	sld [smem:$0x3FD9]  }
0x89: {  	s3 =	sld [smem:$0x3FFE];
	_ =	sdelay $0x1  }
0x8a: {  	s1 =	srdreg.scid  }
0x8b: {  	s0 =	sand.u32 $0x1, s1  }
0x8c: {  	s14 =	sshll.u32 s0, $0xA;
	s2 =	sadd.s32 s3, s2  }
0x8d: {  	s2 =	sadd.s32 s2, s14  }
0x8e: {  	[smem:$0x3FC5] =	sst s2  }
0x8f: {  	_ = 	snop  }
0x90: {  	s2 =	sld [smem:$0x3FD0];
	_ =	sdelay $0x2  }
0x91: {  	s15 =	simm.s32 $0xB;
	s4 =	simm.s32 $0x10  }
0x92: {  	[smem:s4], [sflag:s15] =	dma.local [hbm:s2], $0x1  }
0x93: {  	_ =	swait.eq [sflag:s15], $0x1  }
0x94: {  	[sflag:s15] =	ssyncset.done $0x0  }
0x95: {  	[sflag:s15] =	ssyncadd.s32 $0xFFFFFFFF  }
0x96: {  	s16 =	sld [smem:$0x10];
	(tm) =	ssettm $0x1  }
0x97: {  	s17 =	sld [smem:$0x3FFB];
	_ =	sdelay $0x3  }
0x98: {  	_ =	strace s17  }
0x99: {  	s3 =	sld [smem:$0x3FFC];
	_ =	sdelay $0x3  }
0x9a: {  	_ =	strace s3  }
0x9b: {  	s3 =	sld [smem:$0x3FFD];
	_ =	sdelay $0x3  }
0x9c: {  	_ =	strace s3  }
0x9d: {  	_ =	strace $0x8FFFFFFF  }
0x9e: {  	s18 =	sld [smem:$0x3FDB];
	_ =	sdelay $0x1  }
0x9f: {  	s19 =	simm.s32 $_scs_section_size  }
0xa0: {  	s5 =	simm.s32 $_size__tile_overlayer_lowered;
	s6 =	simm.s32 $_tile_overlayer_lowered  }
0xa1: {  	s22 =	simm.s32 $0x1BFF;
	s21 =	sshll.u32 s6, $0x1;
	s3 =	sadd.s32 s19, s18  }
0xa2: {  	s7 =	simm.s32 $0x0;
	s20 =	sshll.u32 s5, $0x1;
	s5 =	sadd.s32 s21, s3  }
0xa3: {  	[timem:s7], [sflag:s22] =	dma.local [hbm:s5], s20  }
0xa4: {  	_ =	swait.ge [sflag:s22], s20  }
0xa5: {  	s4 =	ssub.s32 $0x0, s20;
	[sflag:s22] =	ssyncset.done $0x0  }
0xa6: {  	[sflag:s22] =	ssyncadd.s32 s4;
	_ =	sdelay $0x1  }
0xa7: {  	s23 =	simm.s32 $0x1B8B  }
0xa8: {  	_ =	swait.ge [sflag:s23], $0x1  }
0xa9: {  	[sflag:s23] =	ssyncset.done $0x0  }
0xaa: {  	s25 =	simm.s32 $0x1B8E;
	s24 =	sld [smem:$0x3FFE];
	[sflag:s23] =	ssyncadd.s32 $0xFFFFFFFF  }
0xab: {  	s26 =	simm.s32 $execute0_lowered;
	[smem:$0x3FD2] =	sst s25  }
0xac: {  	s5 =	sshll.u32 s26, $0x1;
	_ =	strace $0x8000004F;
	[dreg:$0x1] =	wrdreg $0xFFFFFFFF  }
0xad: {  	s28 =	simm.s32 $_size_execute0_lowered;
	s3 =	sadd.s32 s3, s5;
	[dreg:$0x0] =	wrdreg $0x0  }
0xae: {  	s5 =	sshll.u32 s28, $0x1;
	[dreg:$0x2] =	wrdreg s3  }
0xaf: {  	[dreg:$0x3] =	wrdreg s5  }
0xb0: {  	[dreg:$0x4] =	wrdreg $0xC0  }
0xb1: {  	_ =	task [dreg:s7], $0x5FFFF  }
0xb2: {  	[dreg:$0x1] =	wrdreg $0xFFFFFFFF  }
0xb3: {  	[dreg:$0x0] =	wrdreg $0x60  }
0xb4: {  	[dreg:$0x2] =	wrdreg s24  }
0xb5: {  	[dreg:$0x3] =	wrdreg s16  }
0xb6: {  	[dreg:$0x4] =	wrdreg $0xA  }
0xb7: {  	_ =	task.clear_ibuf [dreg:s7], $0x5FFFF;
	_ =	strace $0x9000004F  }
0xb8: {  	s29 =	simm.s32 $0xA;
	_ =	strace $0x80000051  }
0xb9: {  	_ =	swait.ge [sflag:s29], $0x1  }
0xba: {  	[sflag:s29] =	ssyncadd.s32 $0xFFFFFFFF  }
0xbb: {  	_ =	strace $0x90000051  }
0xbc: {  	_ =	sfence  }
0xbd: {  	s30 =	sld [smem:$0x0];
	_ =	sdelay $0x2  }
0xbe: {  	s31 =	sshll.u32 s1, $0xD;
	s1 =	sshrl.u32 s1, $0x2  }
0xbf: {  	s3 =	sand.u32 $0x4000, s31;
	s1 =	sadd.s32 s1, s30  }
0xc0: {  	s0 =	sor.u32 s3, s0;
	s1 =	sshll.u32 s1, $0x11  }
0xc1: {  	s0 =	sor.u32 s1, s0  }
0xc2: {  	s0 =	sadd.s32 $0x8F2B, s0  }
0xc3: {  	[sflag:s0] =	ssyncadd.remote.s32 $0x1  }
0xc4: {  	_ =	sfence.sel $0xFFFF  }
0xc5: {  	[dreg:$0x0] =	wrdreg $0xFFFFFFFF;
	(pc) =	sbr.abs _section_cstart, $3  }
0xc6: {  	[dreg:$0x1] =	wrdreg $0xFFFFFFFF  }
0xc7: {  	_ =	task.clear_ibuf [dreg:s7], $0x2FFFF;
	_ =	strace $0x9FFFFFFF  }
0xc8: {  	(tm) =	ssettm $0x7FFFFFFF  }
0xc9: {  	_ =	shalt  }
tec
execute0_lowered:
.L_overlay_start_1:
0x0: {  	(tag) =	ssettag $0x1  }
0x1: {  	s1 =	srdreg.scid;
	s2 =	rddreg [dreg:$0x0]  }
0x2: {  	s0 =	stileid.u32;
	s3 =	rddreg [dreg:$0x1]  }
0x3: {  	s6 =	simm.s32 $0x1;
	s9 =	simm.s32 $0x1;
	s1 =	sshll.u32 s1, $0x6  }
0x4: {  	s10 =	simm.s32 $0x3;
	s4 =	sshll.u32 s0, $0x7;
	s5 =	sand.u32 $0x40, s1  }
0x5: {  	s13 =	simm.s32 $0x0;
	s12 =	simm.s32 $0x0;
	s4 =	sor.u32 s4, s5  }
0x6: {  	s1 =	rddreg [dreg:$0x2];
	_ =	strace $0x80000050;
	s8 =	ssub.s32 $0x1000, s4  }
.Ltmp0:
0x7: {  	s5 =	sadd.s32 $0x4A00, s2;
	s7 =	sand.u32 $0x7C0, s8;
	(pc) =	sbr.rel .LBB2_1-.Ltmp0, $4  }
0x8: {  	[sflag:s6] =	ssyncpa.u1 $0x0;
	s11 =	smov.u32 s4;
	p0 =	sne.s32 s7, $0x0  }
0x9: {  	s8 =	sshrl.u32 s8, $0xB;
	s7 =	simm.s32 $0x2;
	s9 =	simm.s32 @!p0 $0x0  }
0xa: {  	[sflag:s7] =	ssyncpa.u1 $0x0;
	p0 =	por $0x0, $0x0;
	s8 =	sadd.s32 s9, s8  }
0xb: {  	vm0 =	vmmov $0xffff;
	[sflag:s10] =	ssyncpa.u1 $0x0;
	s10 =	simm.s32 $0x0;
	s9 =	sadd.s32 $0x1, s8  }
.LBB2_4:
0xc: {  	v3 =	vand.u32 $0x3, v0;
	v62 =	vshrl.u32 v0, $0x2  }
0xd: {  	v3 =	vsel vm1, $0xFFFFFFFF, v3;
	v0 =	vand.u32 $0x3FFF, v62  }
0xe: {  	v0 =	vsel vm1, $0xFFFFFFFF, v0;
	v4 =	vshrl.u32 v3, $0x2  }
0xf: {  	v4 =	vmul.u32 $0xC000, v4;
	v5 =	vshll.u32 v0, $0x2  }
0x10: {  	v3 =	vshll.u32 v3, $0x7;
	v5 =	vand.u32 $0xFFFFFE00, v5  }
0x11: {  	v1 =	vor.u32 v1, v2;
	v3 =	vand.u32 $0x180, v3;
	v63 =	vadd.s32 v4, v5  }
0x12: {  	v0 =	vand.u32 $0x7F, v0;
	v2 =	vor.u32 v3, v63  }
0x13: {  	v0 =	vor.u32 v0, v2;
	_ =	sdelay $0x1  }
0x14: {  	(ifvalue) =	ssetifvalue $0x7FFFFFFF;
	s15 =	sadd.s32 $0x10, s15  }
0x15: {  	[tilespmem:s15], [sflag:$0x1] =	stream.indirect_vreg.gather [hbm4b:s5+s10], $0x1, v1, vm0, $0x4038;
	[tilespmem:$0x100] =	vst v63  }
0x16: {  	(ifvalue) =	ssetifvalue $0x7FFFFFFF;
	s15 =	sadd.s32 $0x10, s15  }
0x17: {  	[tilespmem:s15], [sflag:$0x1] =	stream.indirect_vreg.gather [hbm4b:s5+s10], $0x1, v0, vm0, $0x4038;
	[tilespmem:$0x100] =	vst v63  }
0x18: {  	_ =	swait.ge [sflag:s6], $0x40  }
0x19: {  	s30 =	sshrl.u32 s13, $0x3;
	[sflag:s6] =	ssyncset.done $0x0  }
0x1a: {  	s31 =	sand.u32 $0x7, s13;
	s15 =	sadd.s32 s2, s30;
	[sflag:s6] =	ssyncadd.s32 $0xFFFFFFC0  }
0x1b: {  	[hbm4b:s15+s31] =	stream.linear.scatter [tilespmem:s14], [sflag:$0x3], $0x40, $0x38;
	[tilespmem:$0x100] =	vst v63  }
.LBB2_5:
0x1c: {  	s15 =	sadd.s32 $0x800, s11  }
0x1d: {  	p2 =	sgt.s32 s15, $0xFFF  }
0x1e: {  	s15 =	smov.u32 @p2 s4;
	p2 =	sne.s32 s12, s9  }
.Ltmp1:
0x1f: {  	p1 =	slt.u32 s12, $0x2;
	(pc) =	sbr.rel @!p2 .LBB2_6-.Ltmp1, $4  }
0x20: {  	s14 =	simm.s32 @!p1 $0x3  }
0x21: {  	s16 =	sadd.s32 $0x1, s12;
	_ =	swait.ge @!p1 [sflag:s14], $0x40  }
0x22: {  	s13 =	smov.u32 s11;
	p0 =	por !p0, !p0;
	[sflag:s14] =	ssyncset.done @!p1 $0x0  }
0x23: {  	s12 =	smov.u32 s16;
	s11 =	smov.u32 s15;
	[sflag:s14] =	ssyncadd.s32 @!p1 $0xFFFFFFC0  }
.LBB2_1:
0x24: {  	p1 =	sge.u32 s12, s8  }
0x25: {  	s14 =	sxor.u32 @!p1 $0xFFFFFFFF, s12  }
0x26: {  	s31 =	sadd.s32 $0xFFFFFFFF, s12;
	s15 =	sshrl.u32 @!p1 s11, $0x3;
	s14 =	sshll.u32 @!p1 s14, $0x6  }
0x27: {  	s16 =	sand.u32 @!p1 $0x7, s11;
	s15 =	sadd.s32 @!p1 s3, s15;
	s14 =	sand.u32 @!p1 $0x40, s14  }
0x28: {  	[tilespmem:s14], [sflag:$0x2] =	stream.linear.gather @!p1 [hbm4b:s15+s16], $0x40, $0x38;
	[tilespmem:$0x100] =	vst v63  }
0x29: {  	p1 =	sge.u32 s31, s8  }
.Ltmp2:
0x2a: {  	_ = 	snop;
	(pc) =	sbr.rel @p1 .LBB2_5-.Ltmp2, $1  }
0x2b: {  	_ =	sdelay $0x3  }
0x2c: {  	s14 =	simm.s32 $0x1  }
0x2d: {  	_ =	swait.ge [sflag:s7], $0x40;
	s14 =	simm.s32 @!p0 $0x0  }
0x2e: {  	[sflag:s7] =	ssyncset.done $0x0;
	s14 =	sshll.u32 s14, $0x6  }
0x2f: {  	[sflag:s7] =	ssyncadd.s32 $0xFFFFFFC0;
	(ifvalue) =	ssetifvalue $0x7FFFFFFF;
	v0 =	vld.msk [tilespmem:s14+$0x0 ss:$0x1], $0xffff;
	_ =	sdelay $0x2  }
0x30: {  	s15 =	sadd.s32 $0x10, s14  }
0x31: {  	v3 =	vld.msk [tilespmem:s15+$0x0 ss:$0x1], $0xffff  }
0x32: {  	vm1 =	veq.s32 v0, $0x80000000;
	v1 =	vand.u32 $0x3, v0;
	v0 =	vshrl.u32 v0, $0x2  }
0x33: {  	v1 =	vsel vm1, $0xFFFFFFFF, v1;
	v0 =	vand.u32 $0x3FFF, v0  }
0x34: {  	v0 =	vsel vm1, $0xFFFFFFFF, v0;
	v2 =	vshrl.u32 v1, $0x2  }
0x35: {  	v2 =	vmul.u32 $0xC000, v2;
	v4 =	vshll.u32 v0, $0x2  }
0x36: {  	v1 =	vshll.u32 v1, $0x7;
	vm1 =	veq.s32 v3, $0x80000000;
	v4 =	vand.u32 $0xFFFFFE00, v4  }
0x37: {  	v1 =	vand.u32 $0x180, v1;
	v0 =	vand.u32 $0x7F, v0;
	v2 =	vadd.s32 v2, v4  }
0x38: {  	s17 =	sadd.s32 $0x10, s15;
	v1 =	vor.u32 v1, v2;
	v2 =	vand.u32 $0x3, v3;
	v3 =	vshrl.u32 v3, $0x2  }
0x39: {  	v1 =	vor.u32 v0, v1;
	v0 =	vld.msk [tilespmem:s17+$0x0 ss:$0x1], $0xffff;
	v2 =	vsel vm1, $0xFFFFFFFF, v2;
	v3 =	vand.u32 $0x3FFF, v3  }
0x3a: {  	v3 =	vsel vm1, $0xFFFFFFFF, v3;
	v63 =	vshrl.u32 v2, $0x2  }
0x3b: {  	s31 =	sshll.u32 s12, $0x6;
	v4 =	vmul.u32 $0xC000, v63;
	v5 =	vshll.u32 v3, $0x2  }
0x3c: {  	s16 =	simm.s32 $0x20;
	s15 =	sor.u32 $0x80, s14;
	s14 =	sand.u32 $0x40, s31;
	v2 =	vshll.u32 v2, $0x7;
	v5 =	vand.u32 $0xFFFFFE00, v5  }
0x3d: {  	s14 =	sor.u32 $0x80, s14;
	(ifvalue) =	ssetifvalue $0x7FFFFFFF;
	s17 =	sadd.s32 $0x10, s17;
	v2 =	vand.u32 $0x180, v2;
	v4 =	vadd.s32 v4, v5  }
0x3e: {  	[tilespmem:s15], [sflag:$0x1] =	stream.indirect_vreg.gather [hbm4b:s5+s10], $0x1, v1, vm0, $0x4038;
	vm1 =	veq.s32 v0, $0x80000000;
	v1 =	vand.u32 $0x7F, v3;
	v2 =	vor.u32 v2, v4;
	[tilespmem:$0x100] =	vst v63  }
.LBB2_3:
0x3f: {  	v3 =	vand.u32 $0x3, v0;
	v4 =	vshrl.u32 v0, $0x2;
	v0 =	vld.msk [tilespmem:s17+$0x0 ss:$0x1], $0xffff;
	v1 =	vor.u32 v1, v2;
	s16 =	sadd.s32 $0x10, s16  }
0x40: {  	v2 =	vsel vm1, $0xFFFFFFFF, v3;
	v3 =	vand.u32 $0x3FFF, v4;
	p1 =	slt.u32 s16, $0x30  }
.Ltmp3:
0x41: {  	v3 =	vsel vm1, $0xFFFFFFFF, v3;
	v4 =	vshrl.u32 v2, $0x2;
	(pc) =	sbr.rel @p1 .LBB2_3-.Ltmp3, $4  }
0x42: {  	v4 =	vmul.u32 $0xC000, v4;
	v5 =	vshll.u32 v3, $0x2  }
0x43: {  	s15 =	sadd.s32 $0x10, s15;
	v2 =	vshll.u32 v2, $0x7;
	v5 =	vand.u32 $0xFFFFFE00, v5;
	(ifvalue) =	ssetifvalue $0x7FFFFFFF  }
0x44: {  	v2 =	vand.u32 $0x180, v2;
	v4 =	vadd.s32 v4, v5;
	[tilespmem:s15], [sflag:$0x1] =	stream.indirect_vreg.gather [hbm4b:s5+s10], $0x1, v1, vm0, $0x4038;
	[tilespmem:$0x100] =	vst v63  }
0x45: {  	s17 =	sadd.s32 $0x10, s17;
	vm1 =	veq.s32 v0, $0x80000000;
	v1 =	vand.u32 $0x7F, v3;
	v2 =	vor.u32 v2, v4  }
.Ltmp4:
0x46: {  	_ = 	snop;
	(pc) =	sbr.rel .LBB2_4-.Ltmp4, $1  }
0x47: {  	_ =	sdelay $0x3  }
.LBB2_6:
0x48: {  	_ =	sfence.sel $0x180000  }
0x49: {  	s2 =	simm.s32 $0x2;
	[bflag:$0x0] =	sbarrier.arrive $0xFFFF  }
0x4a: {  	s30 =	simm.s32 $0x3;
	[sflag:s2] =	ssyncpa.u1 $0x1  }
0x4b: {  	s31 =	simm.s32 $0x1;
	[sflag:s30] =	ssyncpa.u1 $0x1  }
0x4c: {  	[sflag:s31] =	ssyncpa.u1 $0x1  }
0x4d: {  	p0 =	sne.s32 s0, $0x0;
	_ =	strace $0x90000050  }
0x4e: {  	s0 =	sadd.s32 @!p0 $0x100000, s1;
	[bflag:$0x2] =	sbarrier.arrive $0xFFFF  }
0x4f: {  	[sflag:s0] =	ssyncadd.tile.s32 @!p0 $0x1;
	_ =	shalt  }
.Lfunc_end2:
_tile_overlayer_lowered:
.L_overlay_start_2:
0x50: {  	(tag) =	ssettag $0x2  }
0x51: {  	s0 =	rddreg [dreg:$0x0];
	s2 =	stileid.u32  }
0x52: {  	s1 =	rddreg [dreg:$0x1];
	p0 =	sne.s32 s2, $0x0  }
0x53: {  	s3 =	rddreg [dreg:$0x2];
	[bflag:$0x3] =	sbarrier.arrive $0xFFFF;
	s2 =	simm.s32 @!p0 $0x1C01  }
0x54: {  	[timem:s3], [sflag:s2] =	dma.local @!p0 [hbm:s0], s1  }
0x55: {  	s0 =	simm.s32 @!p0 $0x1  }
0x56: {  	_ =	swait.ge @!p0 [sflag:s0], s1  }
0x57: {  	s1 =	ssub.s32 @!p0 $0x0, s1;
	[sflag:s0] =	ssyncset.done @!p0 $0x0  }
0x58: {  	[sflag:s0] =	ssyncadd.s32 @!p0 s1  }
0x59: {  	[bflag:$0x3] =	sbarrier.arrive $0xFFFF  }
0x5a: {  	_ =	shalt  }

// kernel: gather_offload_async_start.2
scs
__scs_entry_jumppad:
0x0: {  	(pc) =	sbr.rel $0x88, $3  }
0x1: {  	(tag) =	ssettag $0x0;
	lr =	simm.s32 $0x1  }
0x2: {  	[smem:$0x3F9E] =	sst lr;
	_ =	strace $0xD0000000  }
0x3: {  	_ = 	snop  }
0x4: {  	_ = 	snop  }
0x5: {  	_ = 	snop  }
0x6: {  	_ = 	snop  }
0x7: {  	_ = 	snop  }
__scs_overlays_trampoline_lowered:
0x8: {  	[smem:$0x3FAD] =	sst s0  }
0x9: {  	[smem:$0x3FAE] =	sst s1  }
0xa: {  	[smem:$0x3FAF] =	sst s2  }
0xb: {  	[smem:$0x3FB0] =	sst s3  }
0xc: {  	[smem:$0x3FB1] =	sst s4  }
0xd: {  	[smem:$0x3FB2] =	sst s5  }
0xe: {  	[smem:$0x3FB3] =	sst s6  }
0xf: {  	[smem:$0x3FB4] =	sst s7  }
0x10: {  	[smem:$0x3FB5] =	sst s8  }
0x11: {  	[smem:$0x3FB6] =	sst s9;
	s0 =	simm.s32 @!p0 $0x0  }
0x12: {  	s1 =	sld [smem:$0x3F9C];
	s0 =	simm.s32 @p0 $0x1  }
0x13: {  	[smem:$0x3FB7] =	sst s0;
	s0 =	simm.s32 @!p1 $0x0  }
0x14: {  	s2 =	sld [smem:$0x3F9B];
	s0 =	simm.s32 @p1 $0x1  }
0x15: {  	[smem:$0x3FB8] =	sst s0;
	s0 =	simm.s32 @!p2 $0x0  }
0x16: {  	s3 =	sld [smem:$0x3FDB];
	s0 =	simm.s32 @p2 $0x1  }
0x17: {  	s4 =	simm.s32 $0x1BF5;
	[smem:$0x3FBA] =	sst s0  }
0x18: {  	s0 =	sld [smem:$0x3F9D];
	_ =	swait.ge [sflag:s4], $0x0  }
0x19: {  	s7 =	sld [smem:$0x3F9E]  }
0x1a: {  	s8 =	sadd.s32 $0xFFFFE003, lr  }
0x1b: {  	s9 =	sadd.s32 $0xFFFFFEF7, lr;
	s5 =	simm.s32 $0xFFFFFFFF;
	p2 =	slt.u32 s8, $0xFFFFF086  }
0x1c: {  	p1 =	slt.u32 s9, $0xF7A;
	s5 =	simm.s32 @!p2 $0x0  }
0x1d: {  	s5 =	simm.s32 @p1 $0x1;
	p0 =	seq.s32 s7, s2  }
0x1e: {  	s7 =	smul.u32 @!p0 $0xF7A, s2;
	p2 =	seq.s32 @!p0 s5, $0x0  }
0x1f: {  	s9 =	smul.u32 $0xF7A, s1;
	s8 =	simm.s32 @!p0 $0x1BF5;
	p2 =	por !p2, p0  }
0x20: {  	[sflag:s8] =	ssyncset.s32 @!p0 $0xFFFFF086;
	s6 =	sadd.s32 @!p0 s3, s7;
	s7 =	simm.s32 @!p0 $0x108  }
0x21: {  	s3 =	sadd.s32 s3, s9;
	s6 =	sadd.s32 @!p0 $0x88, s6;
	s7 =	simm.s32 @p2 $0x1082  }
0x22: {  	[simem:s7], [sflag:s8] =	dma.local @!p0 [hbm:s6], $0xF7A  }
0x23: {  	s9 =	sor.u32 $0xD0000000, s2;
	s6 =	simm.s32 $0x108;
	_ =	swait.ge @!p0 [sflag:s8], $0x0  }
0x24: {  	s3 =	sadd.s32 $0x88, s3;
	s6 =	simm.s32 @!p1 $0x1082;
	[sflag:s4] =	ssyncset.s32 $0xFFFFF086  }
0x25: {  	[simem:s6], [sflag:s4] =	dma.local [hbm:s3], $0xF7A  }
0x26: {  	[smem:$0x3F9E] =	sst s1;
	(tag) =	ssettag s2;
	_ =	strace s9  }
0x27: {  	s1 =	sld [smem:$0x3FAE]  }
0x28: {  	s2 =	sld [smem:$0x3FAF]  }
0x29: {  	s4 =	sld [smem:$0x3FB1]  }
0x2a: {  	p0 =	seq.s32 s5, $0x0;
	s5 =	sld [smem:$0x3FB2]  }
0x2b: {  	s6 =	sld [smem:$0x3FB3]  }
0x2c: {  	s7 =	sld [smem:$0x3FB4]  }
0x2d: {  	s3 =	simm.s32 $0x108;
	s8 =	sld [smem:$0x3FB5]  }
0x2e: {  	s3 =	simm.s32 @!p0 $0x1082;
	s9 =	sld [smem:$0x3FB6]  }
0x2f: {  	lr =	sadd.s32 s0, s3;
	s0 =	sld [smem:$0x3FAD]  }
0x30: {  	s3 =	sld [smem:$0x3FB0]  }
0x31: {  	[smem:$0x3FB9] =	sst s10  }
0x32: {  	s10 =	sld [smem:$0x3FB7];
	_ =	sdelay $0x3  }
0x33: {  	p0 =	seq.s32 s10, $0x1;
	s10 =	sld [smem:$0x3FB9];
	_ =	sdelay $0x3  }
0x34: {  	[smem:$0x3FB9] =	sst s10  }
0x35: {  	s10 =	sld [smem:$0x3FB8];
	_ =	sdelay $0x3  }
0x36: {  	p1 =	seq.s32 s10, $0x1;
	s10 =	sld [smem:$0x3FB9];
	_ =	sdelay $0x3  }
0x37: {  	[smem:$0x3FB9] =	sst s10  }
0x38: {  	s10 =	sld [smem:$0x3FBA]  }
0x39: {  	_ = 	snop;
	(pc) =	sbr.ind lr, $3  }
0x3a: {  	_ = 	snop  }
0x3b: {  	_ = 	snop  }
0x3c: {  	p2 =	seq.s32 s10, $0x1;
	s10 =	sld [smem:$0x3FB9]  }
0x3d: {  	_ =	shalt  }
0x3e: {  	_ =	shalt  }
0x3f: {  	_ =	shalt  }
0x40: {  	_ =	shalt  }
0x41: {  	_ =	shalt  }
0x42: {  	_ =	shalt  }
0x43: {  	_ =	shalt  }
0x44: {  	_ =	shalt  }
0x45: {  	_ =	shalt  }
0x46: {  	_ =	shalt  }
0x47: {  	_ =	shalt  }
0x48: {  	_ =	shalt  }
0x49: {  	_ =	shalt  }
0x4a: {  	_ =	shalt  }
0x4b: {  	_ =	shalt  }
0x4c: {  	_ =	shalt  }
0x4d: {  	_ =	shalt  }
0x4e: {  	_ =	shalt  }
0x4f: {  	_ =	shalt  }
0x50: {  	_ =	shalt  }
0x51: {  	_ =	shalt  }
0x52: {  	_ =	shalt  }
0x53: {  	_ =	shalt  }
0x54: {  	_ =	shalt  }
0x55: {  	_ =	shalt  }
0x56: {  	_ =	shalt  }
0x57: {  	_ =	shalt  }
0x58: {  	_ =	shalt  }
0x59: {  	_ =	shalt  }
0x5a: {  	_ =	shalt  }
0x5b: {  	_ =	shalt  }
0x5c: {  	_ =	shalt  }
0x5d: {  	_ =	shalt  }
0x5e: {  	_ =	shalt  }
0x5f: {  	_ =	shalt  }
0x60: {  	_ =	shalt  }
0x61: {  	_ =	shalt  }
0x62: {  	_ =	shalt  }
0x63: {  	_ =	shalt  }
0x64: {  	_ =	shalt  }
0x65: {  	_ =	shalt  }
0x66: {  	_ =	shalt  }
0x67: {  	_ =	shalt  }
0x68: {  	_ =	shalt  }
0x69: {  	_ =	shalt  }
0x6a: {  	_ =	shalt  }
0x6b: {  	_ =	shalt  }
0x6c: {  	_ =	shalt  }
0x6d: {  	_ =	shalt  }
0x6e: {  	_ =	shalt  }
0x6f: {  	_ =	shalt  }
0x70: {  	_ =	shalt  }
0x71: {  	_ =	shalt  }
0x72: {  	_ =	shalt  }
0x73: {  	_ =	shalt  }
0x74: {  	_ =	shalt  }
0x75: {  	_ =	shalt  }
0x76: {  	_ =	shalt  }
0x77: {  	_ =	shalt  }
0x78: {  	_ =	shalt  }
0x79: {  	_ =	shalt  }
0x7a: {  	_ =	shalt  }
0x7b: {  	_ =	shalt  }
0x7c: {  	_ =	shalt  }
0x7d: {  	_ =	shalt  }
0x7e: {  	_ =	shalt  }
0x7f: {  	_ =	shalt  }
0x80: {  	_ =	shalt  }
0x81: {  	_ =	shalt  }
0x82: {  	_ =	shalt  }
0x83: {  	_ =	shalt  }
0x84: {  	_ =	shalt  }
0x85: {  	_ =	shalt  }
0x86: {  	_ =	shalt  }
0x87: {  	_ =	shalt  }
.Lfunc_end0:
.L_simem_size_0:
called_computation.2_lowered:
.L_overlay_start_0:
0x88: {  	s2 =	sld [smem:$0x3FD9]  }
0x89: {  	s3 =	sld [smem:$0x3FFE];
	_ =	sdelay $0x1  }
0x8a: {  	s1 =	srdreg.scid  }
0x8b: {  	s0 =	sand.u32 $0x1, s1  }
0x8c: {  	s15 =	sshll.u32 s0, $0xA;
	s2 =	sadd.s32 s3, s2  }
0x8d: {  	s2 =	sadd.s32 s2, s15  }
0x8e: {  	[smem:$0x3FC5] =	sst s2  }
0x8f: {  	_ = 	snop  }
0x90: {  	s2 =	sld [smem:$0x3FD0];
	_ =	sdelay $0x2  }
0x91: {  	s16 =	simm.s32 $0xB;
	s4 =	simm.s32 $0x10  }
0x92: {  	[smem:s4], [sflag:s16] =	dma.local [hbm:s2], $0x1  }
0x93: {  	_ =	swait.eq [sflag:s16], $0x1  }
0x94: {  	[sflag:s16] =	ssyncset.done $0x0  }
0x95: {  	[sflag:s16] =	ssyncadd.s32 $0xFFFFFFFF  }
0x96: {  	s17 =	sld [smem:$0x10];
	(tm) =	ssettm $0x1  }
0x97: {  	s18 =	sld [smem:$0x3FFB];
	_ =	sdelay $0x3  }
0x98: {  	_ =	strace s18  }
0x99: {  	s2 =	sld [smem:$0x3FFC];
	_ =	sdelay $0x3  }
0x9a: {  	_ =	strace s2  }
0x9b: {  	s2 =	sld [smem:$0x3FFD];
	_ =	sdelay $0x3  }
0x9c: {  	_ =	strace s2  }
0x9d: {  	_ =	strace $0x8FFFFFFF  }
0x9e: {  	s19 =	sld [smem:$0x3FDB];
	_ =	sdelay $0x1  }
0x9f: {  	s20 =	simm.s32 $_scs_section_size  }
0xa0: {  	s5 =	simm.s32 $_size__tile_overlayer_lowered;
	s6 =	simm.s32 $_tile_overlayer_lowered  }
0xa1: {  	s7 =	simm.s32 $0x1BFF;
	s21 =	sshll.u32 s6, $0x1;
	s4 =	sadd.s32 s20, s19  }
0xa2: {  	s22 =	simm.s32 $0x0;
	s5 =	sshll.u32 s5, $0x1;
	s6 =	sadd.s32 s21, s4  }
0xa3: {  	[timem:s22], [sflag:s7] =	dma.local [hbm:s6], s5  }
0xa4: {  	_ =	swait.ge [sflag:s7], s5  }
0xa5: {  	s5 =	ssub.s32 $0x0, s5;
	[sflag:s7] =	ssyncset.done $0x0  }
0xa6: {  	[sflag:s7] =	ssyncadd.s32 s5;
	_ =	sdelay $0x1  }
0xa7: {  	s23 =	simm.s32 $0x1B8B  }
0xa8: {  	_ =	swait.ge [sflag:s23], $0x1  }
0xa9: {  	[sflag:s23] =	ssyncset.done $0x0  }
0xaa: {  	[sflag:s23] =	ssyncadd.s32 $0xFFFFFFFF  }
0xab: {  	s5 =	sld [smem:$0x0]  }
0xac: {  	s6 =	sand.u32 $0xFFFFFFFE, s1  }
0xad: {  	p0 =	sne.s32 s1, s6  }
0xae: {  	s6 =	sshll.u32 @p0 s6, $0xE  }
0xaf: {  	s6 =	sadd.s32 @p0 $0x11B8D, s6;
	s7 =	sshll.u32 @p0 s5, $0x11  }
0xb0: {  	s6 =	sor.u32 @p0 s7, s6  }
0xb1: {  	[sflag:s6] =	ssyncadd.remote.s32 @p0 $0x1;
	_ =	sdelay $0x1  }
0xb2: {  	s6 =	simm.s32 @p0 $0x1B8D  }
0xb3: {  	_ =	swait.eq @p0 [sflag:s6], $0x1  }
0xb4: {  	[sflag:s6] =	ssyncadd.s32 @p0 $0xFFFFFFFF  }
0xb5: {  	s7 =	sshll.u32 @!p0 s1, $0xE  }
0xb6: {  	s7 =	sor.u32 @!p0 $0x4000, s7;
	s6 =	simm.s32 @!p0 $0x1B8D  }
0xb7: {  	s5 =	sshll.u32 @!p0 s5, $0x11;
	s7 =	sadd.s32 @!p0 $0x11B8D, s7;
	_ =	swait.eq @!p0 [sflag:s6], $0x1  }
0xb8: {  	s5 =	sor.u32 @!p0 s5, s7;
	[sflag:s6] =	ssyncadd.s32 @!p0 $0xFFFFFFFF  }
0xb9: {  	s25 =	simm.s32 $0x1B8E;
	s24 =	sld [smem:$0x3FFE];
	[sflag:s5] =	ssyncadd.remote.s32 @!p0 $0x1  }
0xba: {  	s26 =	simm.s32 $execute0_lowered;
	[smem:$0x3FD2] =	sst s25  }
0xbb: {  	s6 =	sshll.u32 s26, $0x1;
	_ =	strace $0x8000004C;
	[dreg:$0x1] =	wrdreg $0xFFFFFFFF  }
0xbc: {  	s28 =	simm.s32 $_size_execute0_lowered;
	s4 =	sadd.s32 s4, s6;
	[dreg:$0x0] =	wrdreg $0x0  }
0xbd: {  	s6 =	sshll.u32 s28, $0x1;
	[dreg:$0x2] =	wrdreg s4  }
0xbe: {  	[dreg:$0x3] =	wrdreg s6  }
0xbf: {  	[dreg:$0x4] =	wrdreg $0xC0  }
0xc0: {  	_ =	task [dreg:s22], $0x5FFFF  }
0xc1: {  	[dreg:$0x1] =	wrdreg $0xFFFFFFFF  }
0xc2: {  	[dreg:$0x0] =	wrdreg $0x60  }
0xc3: {  	[dreg:$0x2] =	wrdreg s24  }
0xc4: {  	[dreg:$0x3] =	wrdreg s17  }
0xc5: {  	[dreg:$0x4] =	wrdreg $0x9  }
0xc6: {  	_ =	task.clear_ibuf [dreg:s22], $0x5FFFF;
	_ =	strace $0x9000004C  }
0xc7: {  	s29 =	simm.s32 $0x9;
	_ =	strace $0x8000004E  }
0xc8: {  	_ =	swait.ge [sflag:s29], $0x1  }
0xc9: {  	[sflag:s29] =	ssyncadd.s32 $0xFFFFFFFF  }
0xca: {  	_ =	strace $0x9000004E  }
0xcb: {  	_ =	sfence  }
0xcc: {  	s30 =	sld [smem:$0x0];
	_ =	sdelay $0x2  }
0xcd: {  	s31 =	sshll.u32 s1, $0xD;
	s1 =	sshrl.u32 s1, $0x2  }
0xce: {  	s4 =	sand.u32 $0x4000, s31;
	s1 =	sadd.s32 s1, s30  }
0xcf: {  	s0 =	sor.u32 s4, s0;
	s1 =	sshll.u32 s1, $0x11  }
0xd0: {  	s0 =	sor.u32 s1, s0  }
0xd1: {  	s0 =	sadd.s32 $0x8F2B, s0  }
0xd2: {  	[sflag:s0] =	ssyncadd.remote.s32 $0x1  }
0xd3: {  	_ =	sfence.sel $0xFFFF  }
0xd4: {  	[dreg:$0x0] =	wrdreg $0xFFFFFFFF;
	(pc) =	sbr.abs _section_cstart, $3  }
0xd5: {  	[dreg:$0x1] =	wrdreg $0xFFFFFFFF  }
0xd6: {  	_ =	task.clear_ibuf [dreg:s22], $0x2FFFF;
	_ =	strace $0x9FFFFFFF  }
0xd7: {  	(tm) =	ssettm $0x7FFFFFFF  }
tec
execute0_lowered:
.L_overlay_start_1:
0x0: {  	(tag) =	ssettag $0x1  }
0x1: {  	s1 =	srdreg.scid;
	s5 =	rddreg [dreg:$0x0]  }
0x2: {  	s0 =	stileid.u32;
	s2 =	rddreg [dreg:$0x1];
	s6 =	simm.s32 $0x1  }
0x3: {  	s9 =	simm.s32 $0x1;
	s10 =	simm.s32 $0x3;
	s1 =	sshll.u32 s1, $0x6  }
0x4: {  	s13 =	simm.s32 $0x0;
	s3 =	sshll.u32 s0, $0x7;
	s4 =	sand.u32 $0x40, s1  }
0x5: {  	s12 =	simm.s32 $0x0;
	s1 =	rddreg [dreg:$0x2];
	s3 =	sor.u32 s3, s4  }
0x6: {  	_ =	strace $0x8000004D;
	s4 =	sadd.s32 $0x3200, s5;
	s8 =	ssub.s32 $0x1000, s3  }
.Ltmp0:
0x7: {  	s5 =	sadd.s32 $0x200, s5;
	s7 =	sand.u32 $0x7C0, s8;
	(pc) =	sbr.rel .LBB2_1-.Ltmp0, $4  }
0x8: {  	[sflag:s6] =	ssyncpa.u1 $0x0;
	s11 =	smov.u32 s3;
	p0 =	sne.s32 s7, $0x0  }
0x9: {  	s8 =	sshrl.u32 s8, $0xB;
	s7 =	simm.s32 $0x2;
	s9 =	simm.s32 @!p0 $0x0  }
0xa: {  	[sflag:s7] =	ssyncpa.u1 $0x0;
	p0 =	por $0x0, $0x0;
	s8 =	sadd.s32 s9, s8  }
0xb: {  	vm0 =	vmmov $0xffff;
	[sflag:s10] =	ssyncpa.u1 $0x0;
	s10 =	simm.s32 $0x0;
	s9 =	sadd.s32 $0x1, s8  }
.LBB2_4:
0xc: {  	v3 =	vand.u32 $0x3, v0;
	v62 =	vshrl.u32 v0, $0x2  }
0xd: {  	v3 =	vsel vm1, $0xFFFFFFFF, v3;
	v0 =	vand.u32 $0x3FFF, v62  }
0xe: {  	v0 =	vsel vm1, $0xFFFFFFFF, v0;
	v4 =	vshrl.u32 v3, $0x2  }
0xf: {  	v4 =	vmul.u32 $0xC000, v4;
	v5 =	vshll.u32 v0, $0x2  }
0x10: {  	v3 =	vshll.u32 v3, $0x7;
	v5 =	vand.u32 $0xFFFFFE00, v5  }
0x11: {  	v1 =	vor.u32 v1, v2;
	v3 =	vand.u32 $0x180, v3;
	v63 =	vadd.s32 v4, v5  }
0x12: {  	v0 =	vand.u32 $0x7F, v0;
	v2 =	vor.u32 v3, v63  }
0x13: {  	v0 =	vor.u32 v0, v2;
	_ =	sdelay $0x1  }
0x14: {  	(ifvalue) =	ssetifvalue $0x7FFFFFFF;
	s15 =	sadd.s32 $0x10, s15  }
0x15: {  	[tilespmem:s15], [sflag:$0x1] =	stream.indirect_vreg.gather [hbm4b:s4+s10], $0x1, v1, vm0, $0x4038;
	[tilespmem:$0x100] =	vst v63  }
0x16: {  	(ifvalue) =	ssetifvalue $0x7FFFFFFF;
	s15 =	sadd.s32 $0x10, s15  }
0x17: {  	[tilespmem:s15], [sflag:$0x1] =	stream.indirect_vreg.gather [hbm4b:s4+s10], $0x1, v0, vm0, $0x4038;
	[tilespmem:$0x100] =	vst v63  }
0x18: {  	_ =	swait.ge [sflag:s6], $0x40  }
0x19: {  	s30 =	sshrl.u32 s13, $0x3;
	[sflag:s6] =	ssyncset.done $0x0  }
0x1a: {  	s31 =	sand.u32 $0x7, s13;
	s15 =	sadd.s32 s5, s30;
	[sflag:s6] =	ssyncadd.s32 $0xFFFFFFC0  }
0x1b: {  	[hbm4b:s15+s31] =	stream.linear.scatter [tilespmem:s14], [sflag:$0x3], $0x40, $0x38;
	[tilespmem:$0x100] =	vst v63  }
.LBB2_5:
0x1c: {  	s15 =	sadd.s32 $0x800, s11  }
0x1d: {  	p2 =	sgt.s32 s15, $0xFFF  }
0x1e: {  	s15 =	smov.u32 @p2 s3;
	p2 =	sne.s32 s12, s9  }
.Ltmp1:
0x1f: {  	p1 =	slt.u32 s12, $0x2;
	(pc) =	sbr.rel @!p2 .LBB2_6-.Ltmp1, $4  }
0x20: {  	s14 =	simm.s32 @!p1 $0x3  }
0x21: {  	s16 =	sadd.s32 $0x1, s12;
	_ =	swait.ge @!p1 [sflag:s14], $0x40  }
0x22: {  	s13 =	smov.u32 s11;
	p0 =	por !p0, !p0;
	[sflag:s14] =	ssyncset.done @!p1 $0x0  }
0x23: {  	s12 =	smov.u32 s16;
	s11 =	smov.u32 s15;
	[sflag:s14] =	ssyncadd.s32 @!p1 $0xFFFFFFC0  }
.LBB2_1:
0x24: {  	p1 =	sge.u32 s12, s8  }
0x25: {  	s14 =	sxor.u32 @!p1 $0xFFFFFFFF, s12  }
0x26: {  	s31 =	sadd.s32 $0xFFFFFFFF, s12;
	s15 =	sshrl.u32 @!p1 s11, $0x3;
	s14 =	sshll.u32 @!p1 s14, $0x6  }
0x27: {  	s16 =	sand.u32 @!p1 $0x7, s11;
	s15 =	sadd.s32 @!p1 s2, s15;
	s14 =	sand.u32 @!p1 $0x40, s14  }
0x28: {  	[tilespmem:s14], [sflag:$0x2] =	stream.linear.gather @!p1 [hbm4b:s15+s16], $0x40, $0x38;
	[tilespmem:$0x100] =	vst v63  }
0x29: {  	p1 =	sge.u32 s31, s8  }
.Ltmp2:
0x2a: {  	_ = 	snop;
	(pc) =	sbr.rel @p1 .LBB2_5-.Ltmp2, $1  }
0x2b: {  	_ =	sdelay $0x3  }
0x2c: {  	s14 =	simm.s32 $0x1  }
0x2d: {  	_ =	swait.ge [sflag:s7], $0x40;
	s14 =	simm.s32 @!p0 $0x0  }
0x2e: {  	[sflag:s7] =	ssyncset.done $0x0;
	s14 =	sshll.u32 s14, $0x6  }
0x2f: {  	[sflag:s7] =	ssyncadd.s32 $0xFFFFFFC0;
	(ifvalue) =	ssetifvalue $0x7FFFFFFF;
	v0 =	vld.msk [tilespmem:s14+$0x0 ss:$0x1], $0xffff;
	_ =	sdelay $0x2  }
0x30: {  	s15 =	sadd.s32 $0x10, s14  }
0x31: {  	v3 =	vld.msk [tilespmem:s15+$0x0 ss:$0x1], $0xffff  }
0x32: {  	vm1 =	veq.s32 v0, $0x80000000;
	v1 =	vand.u32 $0x3, v0;
	v0 =	vshrl.u32 v0, $0x2  }
0x33: {  	v1 =	vsel vm1, $0xFFFFFFFF, v1;
	v0 =	vand.u32 $0x3FFF, v0  }
0x34: {  	v0 =	vsel vm1, $0xFFFFFFFF, v0;
	v2 =	vshrl.u32 v1, $0x2  }
0x35: {  	v2 =	vmul.u32 $0xC000, v2;
	v4 =	vshll.u32 v0, $0x2  }
0x36: {  	v1 =	vshll.u32 v1, $0x7;
	vm1 =	veq.s32 v3, $0x80000000;
	v4 =	vand.u32 $0xFFFFFE00, v4  }
0x37: {  	v1 =	vand.u32 $0x180, v1;
	v0 =	vand.u32 $0x7F, v0;
	v2 =	vadd.s32 v2, v4  }
0x38: {  	s17 =	sadd.s32 $0x10, s15;
	v1 =	vor.u32 v1, v2;
	v2 =	vand.u32 $0x3, v3;
	v3 =	vshrl.u32 v3, $0x2  }
0x39: {  	v1 =	vor.u32 v0, v1;
	v0 =	vld.msk [tilespmem:s17+$0x0 ss:$0x1], $0xffff;
	v2 =	vsel vm1, $0xFFFFFFFF, v2;
	v3 =	vand.u32 $0x3FFF, v3  }
0x3a: {  	v3 =	vsel vm1, $0xFFFFFFFF, v3;
	v63 =	vshrl.u32 v2, $0x2  }
0x3b: {  	s31 =	sshll.u32 s12, $0x6;
	v4 =	vmul.u32 $0xC000, v63;
	v5 =	vshll.u32 v3, $0x2  }
0x3c: {  	s16 =	simm.s32 $0x20;
	s15 =	sor.u32 $0x80, s14;
	s14 =	sand.u32 $0x40, s31;
	v2 =	vshll.u32 v2, $0x7;
	v5 =	vand.u32 $0xFFFFFE00, v5  }
0x3d: {  	s14 =	sor.u32 $0x80, s14;
	(ifvalue) =	ssetifvalue $0x7FFFFFFF;
	s17 =	sadd.s32 $0x10, s17;
	v2 =	vand.u32 $0x180, v2;
	v4 =	vadd.s32 v4, v5  }
0x3e: {  	[tilespmem:s15], [sflag:$0x1] =	stream.indirect_vreg.gather [hbm4b:s4+s10], $0x1, v1, vm0, $0x4038;
	vm1 =	veq.s32 v0, $0x80000000;
	v1 =	vand.u32 $0x7F, v3;
	v2 =	vor.u32 v2, v4;
	[tilespmem:$0x100] =	vst v63  }
.LBB2_3:
0x3f: {  	v3 =	vand.u32 $0x3, v0;
	v4 =	vshrl.u32 v0, $0x2;
	v0 =	vld.msk [tilespmem:s17+$0x0 ss:$0x1], $0xffff;
	v1 =	vor.u32 v1, v2;
	s16 =	sadd.s32 $0x10, s16  }
0x40: {  	v2 =	vsel vm1, $0xFFFFFFFF, v3;
	v3 =	vand.u32 $0x3FFF, v4;
	p1 =	slt.u32 s16, $0x30  }
.Ltmp3:
0x41: {  	v3 =	vsel vm1, $0xFFFFFFFF, v3;
	v4 =	vshrl.u32 v2, $0x2;
	(pc) =	sbr.rel @p1 .LBB2_3-.Ltmp3, $4  }
0x42: {  	v4 =	vmul.u32 $0xC000, v4;
	v5 =	vshll.u32 v3, $0x2  }
0x43: {  	s15 =	sadd.s32 $0x10, s15;
	v2 =	vshll.u32 v2, $0x7;
	v5 =	vand.u32 $0xFFFFFE00, v5;
	(ifvalue) =	ssetifvalue $0x7FFFFFFF  }
0x44: {  	v2 =	vand.u32 $0x180, v2;
	v4 =	vadd.s32 v4, v5;
	[tilespmem:s15], [sflag:$0x1] =	stream.indirect_vreg.gather [hbm4b:s4+s10], $0x1, v1, vm0, $0x4038;
	[tilespmem:$0x100] =	vst v63  }
0x45: {  	s17 =	sadd.s32 $0x10, s17;
	vm1 =	veq.s32 v0, $0x80000000;
	v1 =	vand.u32 $0x7F, v3;
	v2 =	vor.u32 v2, v4  }
.Ltmp4:
0x46: {  	_ = 	snop;
	(pc) =	sbr.rel .LBB2_4-.Ltmp4, $1  }
0x47: {  	_ =	sdelay $0x3  }
.LBB2_6:
0x48: {  	_ =	sfence.sel $0x180000  }
0x49: {  	s2 =	simm.s32 $0x2;
	[bflag:$0x0] =	sbarrier.arrive $0xFFFF  }
0x4a: {  	s30 =	simm.s32 $0x3;
	[sflag:s2] =	ssyncpa.u1 $0x1  }
0x4b: {  	s31 =	simm.s32 $0x1;
	[sflag:s30] =	ssyncpa.u1 $0x1  }
0x4c: {  	[sflag:s31] =	ssyncpa.u1 $0x1  }
0x4d: {  	p0 =	sne.s32 s0, $0x0;
	_ =	strace $0x9000004D  }
0x4e: {  	s0 =	sadd.s32 @!p0 $0x100000, s1;
	[bflag:$0x2] =	sbarrier.arrive $0xFFFF  }
0x4f: {  	[sflag:s0] =	ssyncadd.tile.s32 @!p0 $0x1;
	_ =	shalt  }
.Lfunc_end2:
_tile_overlayer_lowered:
.L_overlay_start_2:
0x50: {  	(tag) =	ssettag $0x2  }
0x51: {  	s0 =	rddreg [dreg:$0x0];
	s2 =	stileid.u32  }
0x52: {  	s1 =	rddreg [dreg:$0x1];
	p0 =	sne.s32 s2, $0x0  }
0x53: {  	s3 =	rddreg [dreg:$0x2];
	[bflag:$0x3] =	sbarrier.arrive $0xFFFF;
	s2 =	simm.s32 @!p0 $0x1C01  }
0x54: {  	[timem:s3], [sflag:s2] =	dma.local @!p0 [hbm:s0], s1  }
0x55: {  	s0 =	simm.s32 @!p0 $0x1  }
0x56: {  	_ =	swait.ge @!p0 [sflag:s0], s1  }
0x57: {  	s1 =	ssub.s32 @!p0 $0x0, s1;
	[sflag:s0] =	ssyncset.done @!p0 $0x0  }
0x58: {  	[sflag:s0] =	ssyncadd.s32 @!p0 s1  }
0x59: {  	[bflag:$0x3] =	sbarrier.arrive $0xFFFF  }
0x5a: {  	_ =	shalt  }

// kernel: gather_offload_async_start.3
scs
__scs_entry_jumppad:
0x0: {  	(pc) =	sbr.rel $0x88, $3  }
0x1: {  	(tag) =	ssettag $0x0;
	lr =	simm.s32 $0x1  }
0x2: {  	[smem:$0x3F9E] =	sst lr;
	_ =	strace $0xD0000000  }
0x3: {  	_ = 	snop  }
0x4: {  	_ = 	snop  }
0x5: {  	_ = 	snop  }
0x6: {  	_ = 	snop  }
0x7: {  	_ = 	snop  }
__scs_overlays_trampoline_lowered:
0x8: {  	[smem:$0x3FAD] =	sst s0  }
0x9: {  	[smem:$0x3FAE] =	sst s1  }
0xa: {  	[smem:$0x3FAF] =	sst s2  }
0xb: {  	[smem:$0x3FB0] =	sst s3  }
0xc: {  	[smem:$0x3FB1] =	sst s4  }
0xd: {  	[smem:$0x3FB2] =	sst s5  }
0xe: {  	[smem:$0x3FB3] =	sst s6  }
0xf: {  	[smem:$0x3FB4] =	sst s7  }
0x10: {  	[smem:$0x3FB5] =	sst s8  }
0x11: {  	[smem:$0x3FB6] =	sst s9;
	s0 =	simm.s32 @!p0 $0x0  }
0x12: {  	s1 =	sld [smem:$0x3F9C];
	s0 =	simm.s32 @p0 $0x1  }
0x13: {  	[smem:$0x3FB7] =	sst s0;
	s0 =	simm.s32 @!p1 $0x0  }
0x14: {  	s2 =	sld [smem:$0x3F9B];
	s0 =	simm.s32 @p1 $0x1  }
0x15: {  	[smem:$0x3FB8] =	sst s0;
	s0 =	simm.s32 @!p2 $0x0  }
0x16: {  	s3 =	sld [smem:$0x3FDB];
	s0 =	simm.s32 @p2 $0x1  }
0x17: {  	s4 =	simm.s32 $0x1BF5;
	[smem:$0x3FBA] =	sst s0  }
0x18: {  	s0 =	sld [smem:$0x3F9D];
	_ =	swait.ge [sflag:s4], $0x0  }
0x19: {  	s7 =	sld [smem:$0x3F9E]  }
0x1a: {  	s8 =	sadd.s32 $0xFFFFE003, lr  }
0x1b: {  	s9 =	sadd.s32 $0xFFFFFEF7, lr;
	s5 =	simm.s32 $0xFFFFFFFF;
	p2 =	slt.u32 s8, $0xFFFFF086  }
0x1c: {  	p1 =	slt.u32 s9, $0xF7A;
	s5 =	simm.s32 @!p2 $0x0  }
0x1d: {  	s5 =	simm.s32 @p1 $0x1;
	p0 =	seq.s32 s7, s2  }
0x1e: {  	s7 =	smul.u32 @!p0 $0xF7A, s2;
	p2 =	seq.s32 @!p0 s5, $0x0  }
0x1f: {  	s9 =	smul.u32 $0xF7A, s1;
	s8 =	simm.s32 @!p0 $0x1BF5;
	p2 =	por !p2, p0  }
0x20: {  	[sflag:s8] =	ssyncset.s32 @!p0 $0xFFFFF086;
	s6 =	sadd.s32 @!p0 s3, s7;
	s7 =	simm.s32 @!p0 $0x108  }
0x21: {  	s3 =	sadd.s32 s3, s9;
	s6 =	sadd.s32 @!p0 $0x88, s6;
	s7 =	simm.s32 @p2 $0x1082  }
0x22: {  	[simem:s7], [sflag:s8] =	dma.local @!p0 [hbm:s6], $0xF7A  }
0x23: {  	s9 =	sor.u32 $0xD0000000, s2;
	s6 =	simm.s32 $0x108;
	_ =	swait.ge @!p0 [sflag:s8], $0x0  }
0x24: {  	s3 =	sadd.s32 $0x88, s3;
	s6 =	simm.s32 @!p1 $0x1082;
	[sflag:s4] =	ssyncset.s32 $0xFFFFF086  }
0x25: {  	[simem:s6], [sflag:s4] =	dma.local [hbm:s3], $0xF7A  }
0x26: {  	[smem:$0x3F9E] =	sst s1;
	(tag) =	ssettag s2;
	_ =	strace s9  }
0x27: {  	s1 =	sld [smem:$0x3FAE]  }
0x28: {  	s2 =	sld [smem:$0x3FAF]  }
0x29: {  	s4 =	sld [smem:$0x3FB1]  }
0x2a: {  	p0 =	seq.s32 s5, $0x0;
	s5 =	sld [smem:$0x3FB2]  }
0x2b: {  	s6 =	sld [smem:$0x3FB3]  }
0x2c: {  	s7 =	sld [smem:$0x3FB4]  }
0x2d: {  	s3 =	simm.s32 $0x108;
	s8 =	sld [smem:$0x3FB5]  }
0x2e: {  	s3 =	simm.s32 @!p0 $0x1082;
	s9 =	sld [smem:$0x3FB6]  }
0x2f: {  	lr =	sadd.s32 s0, s3;
	s0 =	sld [smem:$0x3FAD]  }
0x30: {  	s3 =	sld [smem:$0x3FB0]  }
0x31: {  	[smem:$0x3FB9] =	sst s10  }
0x32: {  	s10 =	sld [smem:$0x3FB7];
	_ =	sdelay $0x3  }
0x33: {  	p0 =	seq.s32 s10, $0x1;
	s10 =	sld [smem:$0x3FB9];
	_ =	sdelay $0x3  }
0x34: {  	[smem:$0x3FB9] =	sst s10  }
0x35: {  	s10 =	sld [smem:$0x3FB8];
	_ =	sdelay $0x3  }
0x36: {  	p1 =	seq.s32 s10, $0x1;
	s10 =	sld [smem:$0x3FB9];
	_ =	sdelay $0x3  }
0x37: {  	[smem:$0x3FB9] =	sst s10  }
0x38: {  	s10 =	sld [smem:$0x3FBA]  }
0x39: {  	_ = 	snop;
	(pc) =	sbr.ind lr, $3  }
0x3a: {  	_ = 	snop  }
0x3b: {  	_ = 	snop  }
0x3c: {  	p2 =	seq.s32 s10, $0x1;
	s10 =	sld [smem:$0x3FB9]  }
0x3d: {  	_ =	shalt  }
0x3e: {  	_ =	shalt  }
0x3f: {  	_ =	shalt  }
0x40: {  	_ =	shalt  }
0x41: {  	_ =	shalt  }
0x42: {  	_ =	shalt  }
0x43: {  	_ =	shalt  }
0x44: {  	_ =	shalt  }
0x45: {  	_ =	shalt  }
0x46: {  	_ =	shalt  }
0x47: {  	_ =	shalt  }
0x48: {  	_ =	shalt  }
0x49: {  	_ =	shalt  }
0x4a: {  	_ =	shalt  }
0x4b: {  	_ =	shalt  }
0x4c: {  	_ =	shalt  }
0x4d: {  	_ =	shalt  }
0x4e: {  	_ =	shalt  }
0x4f: {  	_ =	shalt  }
0x50: {  	_ =	shalt  }
0x51: {  	_ =	shalt  }
0x52: {  	_ =	shalt  }
0x53: {  	_ =	shalt  }
0x54: {  	_ =	shalt  }
0x55: {  	_ =	shalt  }
0x56: {  	_ =	shalt  }
0x57: {  	_ =	shalt  }
0x58: {  	_ =	shalt  }
0x59: {  	_ =	shalt  }
0x5a: {  	_ =	shalt  }
0x5b: {  	_ =	shalt  }
0x5c: {  	_ =	shalt  }
0x5d: {  	_ =	shalt  }
0x5e: {  	_ =	shalt  }
0x5f: {  	_ =	shalt  }
0x60: {  	_ =	shalt  }
0x61: {  	_ =	shalt  }
0x62: {  	_ =	shalt  }
0x63: {  	_ =	shalt  }
0x64: {  	_ =	shalt  }
0x65: {  	_ =	shalt  }
0x66: {  	_ =	shalt  }
0x67: {  	_ =	shalt  }
0x68: {  	_ =	shalt  }
0x69: {  	_ =	shalt  }
0x6a: {  	_ =	shalt  }
0x6b: {  	_ =	shalt  }
0x6c: {  	_ =	shalt  }
0x6d: {  	_ =	shalt  }
0x6e: {  	_ =	shalt  }
0x6f: {  	_ =	shalt  }
0x70: {  	_ =	shalt  }
0x71: {  	_ =	shalt  }
0x72: {  	_ =	shalt  }
0x73: {  	_ =	shalt  }
0x74: {  	_ =	shalt  }
0x75: {  	_ =	shalt  }
0x76: {  	_ =	shalt  }
0x77: {  	_ =	shalt  }
0x78: {  	_ =	shalt  }
0x79: {  	_ =	shalt  }
0x7a: {  	_ =	shalt  }
0x7b: {  	_ =	shalt  }
0x7c: {  	_ =	shalt  }
0x7d: {  	_ =	shalt  }
0x7e: {  	_ =	shalt  }
0x7f: {  	_ =	shalt  }
0x80: {  	_ =	shalt  }
0x81: {  	_ =	shalt  }
0x82: {  	_ =	shalt  }
0x83: {  	_ =	shalt  }
0x84: {  	_ =	shalt  }
0x85: {  	_ =	shalt  }
0x86: {  	_ =	shalt  }
0x87: {  	_ =	shalt  }
.Lfunc_end0:
.L_simem_size_0:
called_computation.3_lowered:
.L_overlay_start_0:
0x88: {  	s2 =	sld [smem:$0x3FD9]  }
0x89: {  	s3 =	sld [smem:$0x3FFE];
	_ =	sdelay $0x1  }
0x8a: {  	s1 =	srdreg.scid  }
0x8b: {  	s0 =	sand.u32 $0x1, s1  }
0x8c: {  	s14 =	sshll.u32 s0, $0xA;
	s2 =	sadd.s32 s3, s2  }
0x8d: {  	s2 =	sadd.s32 s2, s14  }
0x8e: {  	[smem:$0x3FC5] =	sst s2  }
0x8f: {  	_ = 	snop  }
0x90: {  	s2 =	sld [smem:$0x3FD0];
	_ =	sdelay $0x2  }
0x91: {  	s15 =	simm.s32 $0xB;
	s4 =	simm.s32 $0x10  }
0x92: {  	[smem:s4], [sflag:s15] =	dma.local [hbm:s2], $0x1  }
0x93: {  	_ =	swait.eq [sflag:s15], $0x1  }
0x94: {  	[sflag:s15] =	ssyncset.done $0x0  }
0x95: {  	[sflag:s15] =	ssyncadd.s32 $0xFFFFFFFF  }
0x96: {  	s16 =	sld [smem:$0x10];
	(tm) =	ssettm $0x1  }
0x97: {  	s17 =	sld [smem:$0x3FFB];
	_ =	sdelay $0x3  }
0x98: {  	_ =	strace s17  }
0x99: {  	s3 =	sld [smem:$0x3FFC];
	_ =	sdelay $0x3  }
0x9a: {  	_ =	strace s3  }
0x9b: {  	s3 =	sld [smem:$0x3FFD];
	_ =	sdelay $0x3  }
0x9c: {  	_ =	strace s3  }
0x9d: {  	_ =	strace $0x8FFFFFFF  }
0x9e: {  	s18 =	sld [smem:$0x3FDB];
	_ =	sdelay $0x1  }
0x9f: {  	s19 =	simm.s32 $_scs_section_size  }
0xa0: {  	s5 =	simm.s32 $_size__tile_overlayer_lowered;
	s6 =	simm.s32 $_tile_overlayer_lowered  }
0xa1: {  	s22 =	simm.s32 $0x1BFF;
	s21 =	sshll.u32 s6, $0x1;
	s3 =	sadd.s32 s19, s18  }
0xa2: {  	s7 =	simm.s32 $0x0;
	s20 =	sshll.u32 s5, $0x1;
	s5 =	sadd.s32 s21, s3  }
0xa3: {  	[timem:s7], [sflag:s22] =	dma.local [hbm:s5], s20  }
0xa4: {  	_ =	swait.ge [sflag:s22], s20  }
0xa5: {  	s4 =	ssub.s32 $0x0, s20;
	[sflag:s22] =	ssyncset.done $0x0  }
0xa6: {  	[sflag:s22] =	ssyncadd.s32 s4;
	_ =	sdelay $0x1  }
0xa7: {  	s23 =	simm.s32 $0x1B8B  }
0xa8: {  	_ =	swait.ge [sflag:s23], $0x1  }
0xa9: {  	[sflag:s23] =	ssyncset.done $0x0  }
0xaa: {  	s25 =	simm.s32 $0x1B8E;
	s24 =	sld [smem:$0x3FFE];
	[sflag:s23] =	ssyncadd.s32 $0xFFFFFFFF  }
0xab: {  	s26 =	simm.s32 $execute0_lowered;
	[smem:$0x3FD2] =	sst s25  }
0xac: {  	s5 =	sshll.u32 s26, $0x1;
	_ =	strace $0x80000049;
	[dreg:$0x1] =	wrdreg $0xFFFFFFFF  }
0xad: {  	s28 =	simm.s32 $_size_execute0_lowered;
	s3 =	sadd.s32 s3, s5;
	[dreg:$0x0] =	wrdreg $0x0  }
0xae: {  	s5 =	sshll.u32 s28, $0x1;
	[dreg:$0x2] =	wrdreg s3  }
0xaf: {  	[dreg:$0x3] =	wrdreg s5  }
0xb0: {  	[dreg:$0x4] =	wrdreg $0xC0  }
0xb1: {  	_ =	task [dreg:s7], $0x5FFFF  }
0xb2: {  	[dreg:$0x1] =	wrdreg $0xFFFFFFFF  }
0xb3: {  	[dreg:$0x0] =	wrdreg $0x60  }
0xb4: {  	[dreg:$0x2] =	wrdreg s24  }
0xb5: {  	[dreg:$0x3] =	wrdreg s16  }
0xb6: {  	[dreg:$0x4] =	wrdreg $0xA  }
0xb7: {  	_ =	task.clear_ibuf [dreg:s7], $0x5FFFF;
	_ =	strace $0x90000049  }
0xb8: {  	s29 =	simm.s32 $0xA;
	_ =	strace $0x8000004B  }
0xb9: {  	_ =	swait.ge [sflag:s29], $0x1  }
0xba: {  	[sflag:s29] =	ssyncadd.s32 $0xFFFFFFFF  }
0xbb: {  	_ =	strace $0x9000004B  }
0xbc: {  	_ =	sfence  }
0xbd: {  	s30 =	sld [smem:$0x0];
	_ =	sdelay $0x2  }
0xbe: {  	s31 =	sshll.u32 s1, $0xD;
	s1 =	sshrl.u32 s1, $0x2  }
0xbf: {  	s3 =	sand.u32 $0x4000, s31;
	s1 =	sadd.s32 s1, s30  }
0xc0: {  	s0 =	sor.u32 s3, s0;
	s1 =	sshll.u32 s1, $0x11  }
0xc1: {  	s0 =	sor.u32 s1, s0  }
0xc2: {  	s0 =	sadd.s32 $0x8F2B, s0  }
0xc3: {  	[sflag:s0] =	ssyncadd.remote.s32 $0x1  }
0xc4: {  	_ =	sfence.sel $0xFFFF  }
0xc5: {  	[dreg:$0x0] =	wrdreg $0xFFFFFFFF;
	(pc) =	sbr.abs _section_cstart, $3  }
0xc6: {  	[dreg:$0x1] =	wrdreg $0xFFFFFFFF  }
0xc7: {  	_ =	task.clear_ibuf [dreg:s7], $0x2FFFF;
	_ =	strace $0x9FFFFFFF  }
0xc8: {  	(tm) =	ssettm $0x7FFFFFFF  }
0xc9: {  	_ =	shalt  }
tec
execute0_lowered:
.L_overlay_start_1:
0x0: {  	(tag) =	ssettag $0x1  }
0x1: {  	s1 =	srdreg.scid;
	s2 =	rddreg [dreg:$0x0]  }
0x2: {  	s0 =	stileid.u32;
	s3 =	rddreg [dreg:$0x1]  }
0x3: {  	s6 =	simm.s32 $0x1;
	s9 =	simm.s32 $0x1;
	s1 =	sshll.u32 s1, $0x6  }
0x4: {  	s10 =	simm.s32 $0x3;
	s4 =	sshll.u32 s0, $0x7;
	s5 =	sand.u32 $0x40, s1  }
0x5: {  	s13 =	simm.s32 $0x0;
	s12 =	simm.s32 $0x0;
	s4 =	sor.u32 s4, s5  }
0x6: {  	s1 =	rddreg [dreg:$0x2];
	_ =	strace $0x8000004A;
	s8 =	ssub.s32 $0x1000, s4  }
.Ltmp0:
0x7: {  	s5 =	sadd.s32 $0x1A00, s2;
	s7 =	sand.u32 $0x7C0, s8;
	(pc) =	sbr.rel .LBB2_1-.Ltmp0, $4  }
0x8: {  	[sflag:s6] =	ssyncpa.u1 $0x0;
	s11 =	smov.u32 s4;
	p0 =	sne.s32 s7, $0x0  }
0x9: {  	s8 =	sshrl.u32 s8, $0xB;
	s7 =	simm.s32 $0x2;
	s9 =	simm.s32 @!p0 $0x0  }
0xa: {  	[sflag:s7] =	ssyncpa.u1 $0x0;
	p0 =	por $0x0, $0x0;
	s8 =	sadd.s32 s9, s8  }
0xb: {  	vm0 =	vmmov $0xffff;
	[sflag:s10] =	ssyncpa.u1 $0x0;
	s10 =	simm.s32 $0x0;
	s9 =	sadd.s32 $0x1, s8  }
.LBB2_4:
0xc: {  	v3 =	vand.u32 $0x3, v0;
	v62 =	vshrl.u32 v0, $0x2  }
0xd: {  	v3 =	vsel vm1, $0xFFFFFFFF, v3;
	v0 =	vand.u32 $0x3FFF, v62  }
0xe: {  	v0 =	vsel vm1, $0xFFFFFFFF, v0;
	v4 =	vshrl.u32 v3, $0x2  }
0xf: {  	v4 =	vmul.u32 $0xC000, v4;
	v5 =	vshll.u32 v0, $0x2  }
0x10: {  	v3 =	vshll.u32 v3, $0x7;
	v5 =	vand.u32 $0xFFFFFE00, v5  }
0x11: {  	v1 =	vor.u32 v1, v2;
	v3 =	vand.u32 $0x180, v3;
	v63 =	vadd.s32 v4, v5  }
0x12: {  	v0 =	vand.u32 $0x7F, v0;
	v2 =	vor.u32 v3, v63  }
0x13: {  	v0 =	vor.u32 v0, v2;
	_ =	sdelay $0x1  }
0x14: {  	(ifvalue) =	ssetifvalue $0x7FFFFFFF;
	s15 =	sadd.s32 $0x10, s15  }
0x15: {  	[tilespmem:s15], [sflag:$0x1] =	stream.indirect_vreg.gather [hbm4b:s5+s10], $0x1, v1, vm0, $0x4038;
	[tilespmem:$0x100] =	vst v63  }
0x16: {  	(ifvalue) =	ssetifvalue $0x7FFFFFFF;
	s15 =	sadd.s32 $0x10, s15  }
0x17: {  	[tilespmem:s15], [sflag:$0x1] =	stream.indirect_vreg.gather [hbm4b:s5+s10], $0x1, v0, vm0, $0x4038;
	[tilespmem:$0x100] =	vst v63  }
0x18: {  	_ =	swait.ge [sflag:s6], $0x40  }
0x19: {  	s30 =	sshrl.u32 s13, $0x3;
	[sflag:s6] =	ssyncset.done $0x0  }
0x1a: {  	s31 =	sand.u32 $0x7, s13;
	s15 =	sadd.s32 s2, s30;
	[sflag:s6] =	ssyncadd.s32 $0xFFFFFFC0  }
0x1b: {  	[hbm4b:s15+s31] =	stream.linear.scatter [tilespmem:s14], [sflag:$0x3], $0x40, $0x38;
	[tilespmem:$0x100] =	vst v63  }
.LBB2_5:
0x1c: {  	s15 =	sadd.s32 $0x800, s11  }
0x1d: {  	p2 =	sgt.s32 s15, $0xFFF  }
0x1e: {  	s15 =	smov.u32 @p2 s4;
	p2 =	sne.s32 s12, s9  }
.Ltmp1:
0x1f: {  	p1 =	slt.u32 s12, $0x2;
	(pc) =	sbr.rel @!p2 .LBB2_6-.Ltmp1, $4  }
0x20: {  	s14 =	simm.s32 @!p1 $0x3  }
0x21: {  	s16 =	sadd.s32 $0x1, s12;
	_ =	swait.ge @!p1 [sflag:s14], $0x40  }
0x22: {  	s13 =	smov.u32 s11;
	p0 =	por !p0, !p0;
	[sflag:s14] =	ssyncset.done @!p1 $0x0  }
0x23: {  	s12 =	smov.u32 s16;
	s11 =	smov.u32 s15;
	[sflag:s14] =	ssyncadd.s32 @!p1 $0xFFFFFFC0  }
.LBB2_1:
0x24: {  	p1 =	sge.u32 s12, s8  }
0x25: {  	s14 =	sxor.u32 @!p1 $0xFFFFFFFF, s12  }
0x26: {  	s31 =	sadd.s32 $0xFFFFFFFF, s12;
	s15 =	sshrl.u32 @!p1 s11, $0x3;
	s14 =	sshll.u32 @!p1 s14, $0x6  }
0x27: {  	s16 =	sand.u32 @!p1 $0x7, s11;
	s15 =	sadd.s32 @!p1 s3, s15;
	s14 =	sand.u32 @!p1 $0x40, s14  }
0x28: {  	[tilespmem:s14], [sflag:$0x2] =	stream.linear.gather @!p1 [hbm4b:s15+s16], $0x40, $0x38;
	[tilespmem:$0x100] =	vst v63  }
0x29: {  	p1 =	sge.u32 s31, s8  }
.Ltmp2:
0x2a: {  	_ = 	snop;
	(pc) =	sbr.rel @p1 .LBB2_5-.Ltmp2, $1  }
0x2b: {  	_ =	sdelay $0x3  }
0x2c: {  	s14 =	simm.s32 $0x1  }
0x2d: {  	_ =	swait.ge [sflag:s7], $0x40;
	s14 =	simm.s32 @!p0 $0x0  }
0x2e: {  	[sflag:s7] =	ssyncset.done $0x0;
	s14 =	sshll.u32 s14, $0x6  }
0x2f: {  	[sflag:s7] =	ssyncadd.s32 $0xFFFFFFC0;
	(ifvalue) =	ssetifvalue $0x7FFFFFFF;
	v0 =	vld.msk [tilespmem:s14+$0x0 ss:$0x1], $0xffff;
	_ =	sdelay $0x2  }
0x30: {  	s15 =	sadd.s32 $0x10, s14  }
0x31: {  	v3 =	vld.msk [tilespmem:s15+$0x0 ss:$0x1], $0xffff  }
0x32: {  	vm1 =	veq.s32 v0, $0x80000000;
	v1 =	vand.u32 $0x3, v0;
	v0 =	vshrl.u32 v0, $0x2  }
0x33: {  	v1 =	vsel vm1, $0xFFFFFFFF, v1;
	v0 =	vand.u32 $0x3FFF, v0  }
0x34: {  	v0 =	vsel vm1, $0xFFFFFFFF, v0;
	v2 =	vshrl.u32 v1, $0x2  }
0x35: {  	v2 =	vmul.u32 $0xC000, v2;
	v4 =	vshll.u32 v0, $0x2  }
0x36: {  	v1 =	vshll.u32 v1, $0x7;
	vm1 =	veq.s32 v3, $0x80000000;
	v4 =	vand.u32 $0xFFFFFE00, v4  }
0x37: {  	v1 =	vand.u32 $0x180, v1;
	v0 =	vand.u32 $0x7F, v0;
	v2 =	vadd.s32 v2, v4  }
0x38: {  	s17 =	sadd.s32 $0x10, s15;
	v1 =	vor.u32 v1, v2;
	v2 =	vand.u32 $0x3, v3;
	v3 =	vshrl.u32 v3, $0x2  }
0x39: {  	v1 =	vor.u32 v0, v1;
	v0 =	vld.msk [tilespmem:s17+$0x0 ss:$0x1], $0xffff;
	v2 =	vsel vm1, $0xFFFFFFFF, v2;
	v3 =	vand.u32 $0x3FFF, v3  }
0x3a: {  	v3 =	vsel vm1, $0xFFFFFFFF, v3;
	v63 =	vshrl.u32 v2, $0x2  }
0x3b: {  	s31 =	sshll.u32 s12, $0x6;
	v4 =	vmul.u32 $0xC000, v63;
	v5 =	vshll.u32 v3, $0x2  }
0x3c: {  	s16 =	simm.s32 $0x20;
	s15 =	sor.u32 $0x80, s14;
	s14 =	sand.u32 $0x40, s31;
	v2 =	vshll.u32 v2, $0x7;
	v5 =	vand.u32 $0xFFFFFE00, v5  }
0x3d: {  	s14 =	sor.u32 $0x80, s14;
	(ifvalue) =	ssetifvalue $0x7FFFFFFF;
	s17 =	sadd.s32 $0x10, s17;
	v2 =	vand.u32 $0x180, v2;
	v4 =	vadd.s32 v4, v5  }
0x3e: {  	[tilespmem:s15], [sflag:$0x1] =	stream.indirect_vreg.gather [hbm4b:s5+s10], $0x1, v1, vm0, $0x4038;
	vm1 =	veq.s32 v0, $0x80000000;
	v1 =	vand.u32 $0x7F, v3;
	v2 =	vor.u32 v2, v4;
	[tilespmem:$0x100] =	vst v63  }
.LBB2_3:
0x3f: {  	v3 =	vand.u32 $0x3, v0;
	v4 =	vshrl.u32 v0, $0x2;
	v0 =	vld.msk [tilespmem:s17+$0x0 ss:$0x1], $0xffff;
	v1 =	vor.u32 v1, v2;
	s16 =	sadd.s32 $0x10, s16  }
0x40: {  	v2 =	vsel vm1, $0xFFFFFFFF, v3;
	v3 =	vand.u32 $0x3FFF, v4;
	p1 =	slt.u32 s16, $0x30  }
.Ltmp3:
0x41: {  	v3 =	vsel vm1, $0xFFFFFFFF, v3;
	v4 =	vshrl.u32 v2, $0x2;
	(pc) =	sbr.rel @p1 .LBB2_3-.Ltmp3, $4  }
0x42: {  	v4 =	vmul.u32 $0xC000, v4;
	v5 =	vshll.u32 v3, $0x2  }
0x43: {  	s15 =	sadd.s32 $0x10, s15;
	v2 =	vshll.u32 v2, $0x7;
	v5 =	vand.u32 $0xFFFFFE00, v5;
	(ifvalue) =	ssetifvalue $0x7FFFFFFF  }
0x44: {  	v2 =	vand.u32 $0x180, v2;
	v4 =	vadd.s32 v4, v5;
	[tilespmem:s15], [sflag:$0x1] =	stream.indirect_vreg.gather [hbm4b:s5+s10], $0x1, v1, vm0, $0x4038;
	[tilespmem:$0x100] =	vst v63  }
0x45: {  	s17 =	sadd.s32 $0x10, s17;
	vm1 =	veq.s32 v0, $0x80000000;
	v1 =	vand.u32 $0x7F, v3;
	v2 =	vor.u32 v2, v4  }
.Ltmp4:
0x46: {  	_ = 	snop;
	(pc) =	sbr.rel .LBB2_4-.Ltmp4, $1  }
0x47: {  	_ =	sdelay $0x3  }
.LBB2_6:
0x48: {  	_ =	sfence.sel $0x180000  }
0x49: {  	s2 =	simm.s32 $0x2;
	[bflag:$0x0] =	sbarrier.arrive $0xFFFF  }
0x4a: {  	s30 =	simm.s32 $0x3;
	[sflag:s2] =	ssyncpa.u1 $0x1  }
0x4b: {  	s31 =	simm.s32 $0x1;
	[sflag:s30] =	ssyncpa.u1 $0x1  }
0x4c: {  	[sflag:s31] =	ssyncpa.u1 $0x1  }
0x4d: {  	p0 =	sne.s32 s0, $0x0;
	_ =	strace $0x9000004A  }
0x4e: {  	s0 =	sadd.s32 @!p0 $0x100000, s1;
	[bflag:$0x2] =	sbarrier.arrive $0xFFFF  }
0x4f: {  	[sflag:s0] =	ssyncadd.tile.s32 @!p0 $0x1;
	_ =	shalt  }
.Lfunc_end2:
_tile_overlayer_lowered:
.L_overlay_start_2:
0x50: {  	(tag) =	ssettag $0x2  }
0x51: {  	s0 =	rddreg [dreg:$0x0];
	s2 =	stileid.u32  }
0x52: {  	s1 =	rddreg [dreg:$0x1];
	p0 =	sne.s32 s2, $0x0  }
0x53: {  	s3 =	rddreg [dreg:$0x2];
	[bflag:$0x3] =	sbarrier.arrive $0xFFFF;
	s2 =	simm.s32 @!p0 $0x1C01  }
0x54: {  	[timem:s3], [sflag:s2] =	dma.local @!p0 [hbm:s0], s1  }
0x55: {  	s0 =	simm.s32 @!p0 $0x1  }
0x56: {  	_ =	swait.ge @!p0 [sflag:s0], s1  }
0x57: {  	s1 =	ssub.s32 @!p0 $0x0, s1;
	[sflag:s0] =	ssyncset.done @!p0 $0x0  }
0x58: {  	[sflag:s0] =	ssyncadd.s32 @!p0 s1  }
0x59: {  	[bflag:$0x3] =	sbarrier.arrive $0xFFFF  }
0x5a: {  	_ =	shalt  }

// kernel: gather_offload_async_start.4
scs
__scs_entry_jumppad:
0x0: {  	(pc) =	sbr.rel $0x88, $3  }
0x1: {  	(tag) =	ssettag $0x0;
	lr =	simm.s32 $0x1  }
0x2: {  	[smem:$0x3F9E] =	sst lr;
	_ =	strace $0xD0000000  }
0x3: {  	_ = 	snop  }
0x4: {  	_ = 	snop  }
0x5: {  	_ = 	snop  }
0x6: {  	_ = 	snop  }
0x7: {  	_ = 	snop  }
__scs_overlays_trampoline_lowered:
0x8: {  	[smem:$0x3FAD] =	sst s0  }
0x9: {  	[smem:$0x3FAE] =	sst s1  }
0xa: {  	[smem:$0x3FAF] =	sst s2  }
0xb: {  	[smem:$0x3FB0] =	sst s3  }
0xc: {  	[smem:$0x3FB1] =	sst s4  }
0xd: {  	[smem:$0x3FB2] =	sst s5  }
0xe: {  	[smem:$0x3FB3] =	sst s6  }
0xf: {  	[smem:$0x3FB4] =	sst s7  }
0x10: {  	[smem:$0x3FB5] =	sst s8  }
0x11: {  	[smem:$0x3FB6] =	sst s9;
	s0 =	simm.s32 @!p0 $0x0  }
0x12: {  	s1 =	sld [smem:$0x3F9C];
	s0 =	simm.s32 @p0 $0x1  }
0x13: {  	[smem:$0x3FB7] =	sst s0;
	s0 =	simm.s32 @!p1 $0x0  }
0x14: {  	s2 =	sld [smem:$0x3F9B];
	s0 =	simm.s32 @p1 $0x1  }
0x15: {  	[smem:$0x3FB8] =	sst s0;
	s0 =	simm.s32 @!p2 $0x0  }
0x16: {  	s3 =	sld [smem:$0x3FDB];
	s0 =	simm.s32 @p2 $0x1  }
0x17: {  	s4 =	simm.s32 $0x1BF5;
	[smem:$0x3FBA] =	sst s0  }
0x18: {  	s0 =	sld [smem:$0x3F9D];
	_ =	swait.ge [sflag:s4], $0x0  }
0x19: {  	s7 =	sld [smem:$0x3F9E]  }
0x1a: {  	s8 =	sadd.s32 $0xFFFFE003, lr  }
0x1b: {  	s9 =	sadd.s32 $0xFFFFFEF7, lr;
	s5 =	simm.s32 $0xFFFFFFFF;
	p2 =	slt.u32 s8, $0xFFFFF086  }
0x1c: {  	p1 =	slt.u32 s9, $0xF7A;
	s5 =	simm.s32 @!p2 $0x0  }
0x1d: {  	s5 =	simm.s32 @p1 $0x1;
	p0 =	seq.s32 s7, s2  }
0x1e: {  	s7 =	smul.u32 @!p0 $0xF7A, s2;
	p2 =	seq.s32 @!p0 s5, $0x0  }
0x1f: {  	s9 =	smul.u32 $0xF7A, s1;
	s8 =	simm.s32 @!p0 $0x1BF5;
	p2 =	por !p2, p0  }
0x20: {  	[sflag:s8] =	ssyncset.s32 @!p0 $0xFFFFF086;
	s6 =	sadd.s32 @!p0 s3, s7;
	s7 =	simm.s32 @!p0 $0x108  }
0x21: {  	s3 =	sadd.s32 s3, s9;
	s6 =	sadd.s32 @!p0 $0x88, s6;
	s7 =	simm.s32 @p2 $0x1082  }
0x22: {  	[simem:s7], [sflag:s8] =	dma.local @!p0 [hbm:s6], $0xF7A  }
0x23: {  	s9 =	sor.u32 $0xD0000000, s2;
	s6 =	simm.s32 $0x108;
	_ =	swait.ge @!p0 [sflag:s8], $0x0  }
0x24: {  	s3 =	sadd.s32 $0x88, s3;
	s6 =	simm.s32 @!p1 $0x1082;
	[sflag:s4] =	ssyncset.s32 $0xFFFFF086  }
0x25: {  	[simem:s6], [sflag:s4] =	dma.local [hbm:s3], $0xF7A  }
0x26: {  	[smem:$0x3F9E] =	sst s1;
	(tag) =	ssettag s2;
	_ =	strace s9  }
0x27: {  	s1 =	sld [smem:$0x3FAE]  }
0x28: {  	s2 =	sld [smem:$0x3FAF]  }
0x29: {  	s4 =	sld [smem:$0x3FB1]  }
0x2a: {  	p0 =	seq.s32 s5, $0x0;
	s5 =	sld [smem:$0x3FB2]  }
0x2b: {  	s6 =	sld [smem:$0x3FB3]  }
0x2c: {  	s7 =	sld [smem:$0x3FB4]  }
0x2d: {  	s3 =	simm.s32 $0x108;
	s8 =	sld [smem:$0x3FB5]  }
0x2e: {  	s3 =	simm.s32 @!p0 $0x1082;
	s9 =	sld [smem:$0x3FB6]  }
0x2f: {  	lr =	sadd.s32 s0, s3;
	s0 =	sld [smem:$0x3FAD]  }
0x30: {  	s3 =	sld [smem:$0x3FB0]  }
0x31: {  	[smem:$0x3FB9] =	sst s10  }
0x32: {  	s10 =	sld [smem:$0x3FB7];
	_ =	sdelay $0x3  }
0x33: {  	p0 =	seq.s32 s10, $0x1;
	s10 =	sld [smem:$0x3FB9];
	_ =	sdelay $0x3  }
0x34: {  	[smem:$0x3FB9] =	sst s10  }
0x35: {  	s10 =	sld [smem:$0x3FB8];
	_ =	sdelay $0x3  }
0x36: {  	p1 =	seq.s32 s10, $0x1;
	s10 =	sld [smem:$0x3FB9];
	_ =	sdelay $0x3  }
0x37: {  	[smem:$0x3FB9] =	sst s10  }
0x38: {  	s10 =	sld [smem:$0x3FBA]  }
0x39: {  	_ = 	snop;
	(pc) =	sbr.ind lr, $3  }
0x3a: {  	_ = 	snop  }
0x3b: {  	_ = 	snop  }
0x3c: {  	p2 =	seq.s32 s10, $0x1;
	s10 =	sld [smem:$0x3FB9]  }
0x3d: {  	_ =	shalt  }
0x3e: {  	_ =	shalt  }
0x3f: {  	_ =	shalt  }
0x40: {  	_ =	shalt  }
0x41: {  	_ =	shalt  }
0x42: {  	_ =	shalt  }
0x43: {  	_ =	shalt  }
0x44: {  	_ =	shalt  }
0x45: {  	_ =	shalt  }
0x46: {  	_ =	shalt  }
0x47: {  	_ =	shalt  }
0x48: {  	_ =	shalt  }
0x49: {  	_ =	shalt  }
0x4a: {  	_ =	shalt  }
0x4b: {  	_ =	shalt  }
0x4c: {  	_ =	shalt  }
0x4d: {  	_ =	shalt  }
0x4e: {  	_ =	shalt  }
0x4f: {  	_ =	shalt  }
0x50: {  	_ =	shalt  }
0x51: {  	_ =	shalt  }
0x52: {  	_ =	shalt  }
0x53: {  	_ =	shalt  }
0x54: {  	_ =	shalt  }
0x55: {  	_ =	shalt  }
0x56: {  	_ =	shalt  }
0x57: {  	_ =	shalt  }
0x58: {  	_ =	shalt  }
0x59: {  	_ =	shalt  }
0x5a: {  	_ =	shalt  }
0x5b: {  	_ =	shalt  }
0x5c: {  	_ =	shalt  }
0x5d: {  	_ =	shalt  }
0x5e: {  	_ =	shalt  }
0x5f: {  	_ =	shalt  }
0x60: {  	_ =	shalt  }
0x61: {  	_ =	shalt  }
0x62: {  	_ =	shalt  }
0x63: {  	_ =	shalt  }
0x64: {  	_ =	shalt  }
0x65: {  	_ =	shalt  }
0x66: {  	_ =	shalt  }
0x67: {  	_ =	shalt  }
0x68: {  	_ =	shalt  }
0x69: {  	_ =	shalt  }
0x6a: {  	_ =	shalt  }
0x6b: {  	_ =	shalt  }
0x6c: {  	_ =	shalt  }
0x6d: {  	_ =	shalt  }
0x6e: {  	_ =	shalt  }
0x6f: {  	_ =	shalt  }
0x70: {  	_ =	shalt  }
0x71: {  	_ =	shalt  }
0x72: {  	_ =	shalt  }
0x73: {  	_ =	shalt  }
0x74: {  	_ =	shalt  }
0x75: {  	_ =	shalt  }
0x76: {  	_ =	shalt  }
0x77: {  	_ =	shalt  }
0x78: {  	_ =	shalt  }
0x79: {  	_ =	shalt  }
0x7a: {  	_ =	shalt  }
0x7b: {  	_ =	shalt  }
0x7c: {  	_ =	shalt  }
0x7d: {  	_ =	shalt  }
0x7e: {  	_ =	shalt  }
0x7f: {  	_ =	shalt  }
0x80: {  	_ =	shalt  }
0x81: {  	_ =	shalt  }
0x82: {  	_ =	shalt  }
0x83: {  	_ =	shalt  }
0x84: {  	_ =	shalt  }
0x85: {  	_ =	shalt  }
0x86: {  	_ =	shalt  }
0x87: {  	_ =	shalt  }
.Lfunc_end0:
.L_simem_size_0:
called_computation.4_lowered:
.L_overlay_start_0:
0x88: {  	s2 =	sld [smem:$0x3FD9]  }
0x89: {  	s3 =	sld [smem:$0x3FFE];
	_ =	sdelay $0x1  }
0x8a: {  	s1 =	srdreg.scid  }
0x8b: {  	s0 =	sand.u32 $0x1, s1  }
0x8c: {  	s14 =	sshll.u32 s0, $0xA;
	s2 =	sadd.s32 s3, s2  }
0x8d: {  	s2 =	sadd.s32 s2, s14  }
0x8e: {  	[smem:$0x3FC5] =	sst s2  }
0x8f: {  	_ = 	snop  }
0x90: {  	s2 =	sld [smem:$0x3FD0];
	_ =	sdelay $0x2  }
0x91: {  	s15 =	simm.s32 $0xB;
	s4 =	simm.s32 $0x10  }
0x92: {  	[smem:s4], [sflag:s15] =	dma.local [hbm:s2], $0x1  }
0x93: {  	_ =	swait.eq [sflag:s15], $0x1  }
0x94: {  	[sflag:s15] =	ssyncset.done $0x0  }
0x95: {  	[sflag:s15] =	ssyncadd.s32 $0xFFFFFFFF  }
0x96: {  	s16 =	sld [smem:$0x10];
	(tm) =	ssettm $0x1  }
0x97: {  	s17 =	sld [smem:$0x3FFB];
	_ =	sdelay $0x3  }
0x98: {  	_ =	strace s17  }
0x99: {  	s3 =	sld [smem:$0x3FFC];
	_ =	sdelay $0x3  }
0x9a: {  	_ =	strace s3  }
0x9b: {  	s3 =	sld [smem:$0x3FFD];
	_ =	sdelay $0x3  }
0x9c: {  	_ =	strace s3  }
0x9d: {  	_ =	strace $0x8FFFFFFF  }
0x9e: {  	s18 =	sld [smem:$0x3FDB];
	_ =	sdelay $0x1  }
0x9f: {  	s19 =	simm.s32 $_scs_section_size  }
0xa0: {  	s5 =	simm.s32 $_size__tile_overlayer_lowered;
	s6 =	simm.s32 $_tile_overlayer_lowered  }
0xa1: {  	s22 =	simm.s32 $0x1BFF;
	s21 =	sshll.u32 s6, $0x1;
	s3 =	sadd.s32 s19, s18  }
0xa2: {  	s7 =	simm.s32 $0x0;
	s20 =	sshll.u32 s5, $0x1;
	s5 =	sadd.s32 s21, s3  }
0xa3: {  	[timem:s7], [sflag:s22] =	dma.local [hbm:s5], s20  }
0xa4: {  	_ =	swait.ge [sflag:s22], s20  }
0xa5: {  	s4 =	ssub.s32 $0x0, s20;
	[sflag:s22] =	ssyncset.done $0x0  }
0xa6: {  	[sflag:s22] =	ssyncadd.s32 s4;
	_ =	sdelay $0x1  }
0xa7: {  	s23 =	simm.s32 $0x1B8B  }
0xa8: {  	_ =	swait.ge [sflag:s23], $0x1  }
0xa9: {  	[sflag:s23] =	ssyncset.done $0x0  }
0xaa: {  	s25 =	simm.s32 $0x1B8E;
	s24 =	sld [smem:$0x3FFE];
	[sflag:s23] =	ssyncadd.s32 $0xFFFFFFFF  }
0xab: {  	s26 =	simm.s32 $execute0_lowered;
	[smem:$0x3FD2] =	sst s25  }
0xac: {  	s5 =	sshll.u32 s26, $0x1;
	_ =	strace $0x80000046;
	[dreg:$0x1] =	wrdreg $0xFFFFFFFF  }
0xad: {  	s28 =	simm.s32 $_size_execute0_lowered;
	s3 =	sadd.s32 s3, s5;
	[dreg:$0x0] =	wrdreg $0x0  }
0xae: {  	s5 =	sshll.u32 s28, $0x1;
	[dreg:$0x2] =	wrdreg s3  }
0xaf: {  	[dreg:$0x3] =	wrdreg s5  }
0xb0: {  	[dreg:$0x4] =	wrdreg $0xC0  }
0xb1: {  	_ =	task [dreg:s7], $0x5FFFF  }
0xb2: {  	[dreg:$0x1] =	wrdreg $0xFFFFFFFF  }
0xb3: {  	[dreg:$0x0] =	wrdreg $0x60  }
0xb4: {  	[dreg:$0x2] =	wrdreg s24  }
0xb5: {  	[dreg:$0x3] =	wrdreg s16  }
0xb6: {  	[dreg:$0x4] =	wrdreg $0x9  }
0xb7: {  	_ =	task.clear_ibuf [dreg:s7], $0x5FFFF;
	_ =	strace $0x90000046  }
0xb8: {  	s29 =	simm.s32 $0x9;
	_ =	strace $0x80000048  }
0xb9: {  	_ =	swait.ge [sflag:s29], $0x1  }
0xba: {  	[sflag:s29] =	ssyncadd.s32 $0xFFFFFFFF  }
0xbb: {  	_ =	strace $0x90000048  }
0xbc: {  	_ =	sfence  }
0xbd: {  	s30 =	sld [smem:$0x0];
	_ =	sdelay $0x2  }
0xbe: {  	s31 =	sshll.u32 s1, $0xD;
	s1 =	sshrl.u32 s1, $0x2  }
0xbf: {  	s3 =	sand.u32 $0x4000, s31;
	s1 =	sadd.s32 s1, s30  }
0xc0: {  	s0 =	sor.u32 s3, s0;
	s1 =	sshll.u32 s1, $0x11  }
0xc1: {  	s0 =	sor.u32 s1, s0  }
0xc2: {  	s0 =	sadd.s32 $0x8F2B, s0  }
0xc3: {  	[sflag:s0] =	ssyncadd.remote.s32 $0x1  }
0xc4: {  	_ =	sfence.sel $0xFFFF  }
0xc5: {  	[dreg:$0x0] =	wrdreg $0xFFFFFFFF;
	(pc) =	sbr.abs _section_cstart, $3  }
0xc6: {  	[dreg:$0x1] =	wrdreg $0xFFFFFFFF  }
0xc7: {  	_ =	task.clear_ibuf [dreg:s7], $0x2FFFF;
	_ =	strace $0x9FFFFFFF  }
0xc8: {  	(tm) =	ssettm $0x7FFFFFFF  }
0xc9: {  	_ =	shalt  }
tec
execute0_lowered:
.L_overlay_start_1:
0x0: {  	(tag) =	ssettag $0x1  }
0x1: {  	s1 =	srdreg.scid;
	s2 =	rddreg [dreg:$0x0]  }
0x2: {  	s0 =	stileid.u32;
	s3 =	rddreg [dreg:$0x1]  }
0x3: {  	s6 =	simm.s32 $0x1;
	s9 =	simm.s32 $0x1;
	s1 =	sshll.u32 s1, $0x6  }
0x4: {  	s10 =	simm.s32 $0x3;
	s4 =	sshll.u32 s0, $0x7;
	s5 =	sand.u32 $0x40, s1  }
0x5: {  	s13 =	simm.s32 $0x0;
	s12 =	simm.s32 $0x0;
	s4 =	sor.u32 s4, s5  }
0x6: {  	s1 =	rddreg [dreg:$0x2];
	_ =	strace $0x80000047;
	s8 =	ssub.s32 $0x1000, s4  }
.Ltmp0:
0x7: {  	s5 =	sadd.s32 $0x1800, s2;
	s7 =	sand.u32 $0x7C0, s8;
	(pc) =	sbr.rel .LBB2_1-.Ltmp0, $4  }
0x8: {  	[sflag:s6] =	ssyncpa.u1 $0x0;
	s11 =	smov.u32 s4;
	p0 =	sne.s32 s7, $0x0  }
0x9: {  	s8 =	sshrl.u32 s8, $0xB;
	s7 =	simm.s32 $0x2;
	s9 =	simm.s32 @!p0 $0x0  }
0xa: {  	[sflag:s7] =	ssyncpa.u1 $0x0;
	p0 =	por $0x0, $0x0;
	s8 =	sadd.s32 s9, s8  }
0xb: {  	vm0 =	vmmov $0xffff;
	[sflag:s10] =	ssyncpa.u1 $0x0;
	s10 =	simm.s32 $0x0;
	s9 =	sadd.s32 $0x1, s8  }
.LBB2_4:
0xc: {  	v3 =	vand.u32 $0x3, v0;
	v62 =	vshrl.u32 v0, $0x2  }
0xd: {  	v3 =	vsel vm1, $0xFFFFFFFF, v3;
	v0 =	vand.u32 $0x3FFF, v62  }
0xe: {  	v0 =	vsel vm1, $0xFFFFFFFF, v0;
	v4 =	vshrl.u32 v3, $0x2  }
0xf: {  	v4 =	vmul.u32 $0xC000, v4;
	v5 =	vshll.u32 v0, $0x2  }
0x10: {  	v3 =	vshll.u32 v3, $0x7;
	v5 =	vand.u32 $0xFFFFFE00, v5  }
0x11: {  	v1 =	vor.u32 v1, v2;
	v3 =	vand.u32 $0x180, v3;
	v63 =	vadd.s32 v4, v5  }
0x12: {  	v0 =	vand.u32 $0x7F, v0;
	v2 =	vor.u32 v3, v63  }
0x13: {  	v0 =	vor.u32 v0, v2;
	_ =	sdelay $0x1  }
0x14: {  	(ifvalue) =	ssetifvalue $0x7FFFFFFF;
	s15 =	sadd.s32 $0x10, s15  }
0x15: {  	[tilespmem:s15], [sflag:$0x1] =	stream.indirect_vreg.gather [hbm4b:s2+s10], $0x1, v1, vm0, $0x4038;
	[tilespmem:$0x100] =	vst v63  }
0x16: {  	(ifvalue) =	ssetifvalue $0x7FFFFFFF;
	s15 =	sadd.s32 $0x10, s15  }
0x17: {  	[tilespmem:s15], [sflag:$0x1] =	stream.indirect_vreg.gather [hbm4b:s2+s10], $0x1, v0, vm0, $0x4038;
	[tilespmem:$0x100] =	vst v63  }
0x18: {  	_ =	swait.ge [sflag:s6], $0x40  }
0x19: {  	s30 =	sshrl.u32 s13, $0x3;
	[sflag:s6] =	ssyncset.done $0x0  }
0x1a: {  	s31 =	sand.u32 $0x7, s13;
	s15 =	sadd.s32 s5, s30;
	[sflag:s6] =	ssyncadd.s32 $0xFFFFFFC0  }
0x1b: {  	[hbm4b:s15+s31] =	stream.linear.scatter [tilespmem:s14], [sflag:$0x3], $0x40, $0x38;
	[tilespmem:$0x100] =	vst v63  }
.LBB2_5:
0x1c: {  	s15 =	sadd.s32 $0x800, s11  }
0x1d: {  	p2 =	sgt.s32 s15, $0xFFF  }
0x1e: {  	s15 =	smov.u32 @p2 s4;
	p2 =	sne.s32 s12, s9  }
.Ltmp1:
0x1f: {  	p1 =	slt.u32 s12, $0x2;
	(pc) =	sbr.rel @!p2 .LBB2_6-.Ltmp1, $4  }
0x20: {  	s14 =	simm.s32 @!p1 $0x3  }
0x21: {  	s16 =	sadd.s32 $0x1, s12;
	_ =	swait.ge @!p1 [sflag:s14], $0x40  }
0x22: {  	s13 =	smov.u32 s11;
	p0 =	por !p0, !p0;
	[sflag:s14] =	ssyncset.done @!p1 $0x0  }
0x23: {  	s12 =	smov.u32 s16;
	s11 =	smov.u32 s15;
	[sflag:s14] =	ssyncadd.s32 @!p1 $0xFFFFFFC0  }
.LBB2_1:
0x24: {  	p1 =	sge.u32 s12, s8  }
0x25: {  	s14 =	sxor.u32 @!p1 $0xFFFFFFFF, s12  }
0x26: {  	s31 =	sadd.s32 $0xFFFFFFFF, s12;
	s15 =	sshrl.u32 @!p1 s11, $0x3;
	s14 =	sshll.u32 @!p1 s14, $0x6  }
0x27: {  	s16 =	sand.u32 @!p1 $0x7, s11;
	s15 =	sadd.s32 @!p1 s3, s15;
	s14 =	sand.u32 @!p1 $0x40, s14  }
0x28: {  	[tilespmem:s14], [sflag:$0x2] =	stream.linear.gather @!p1 [hbm4b:s15+s16], $0x40, $0x38;
	[tilespmem:$0x100] =	vst v63  }
0x29: {  	p1 =	sge.u32 s31, s8  }
.Ltmp2:
0x2a: {  	_ = 	snop;
	(pc) =	sbr.rel @p1 .LBB2_5-.Ltmp2, $1  }
0x2b: {  	_ =	sdelay $0x3  }
0x2c: {  	s14 =	simm.s32 $0x1  }
0x2d: {  	_ =	swait.ge [sflag:s7], $0x40;
	s14 =	simm.s32 @!p0 $0x0  }
0x2e: {  	[sflag:s7] =	ssyncset.done $0x0;
	s14 =	sshll.u32 s14, $0x6  }
0x2f: {  	[sflag:s7] =	ssyncadd.s32 $0xFFFFFFC0;
	(ifvalue) =	ssetifvalue $0x7FFFFFFF;
	v0 =	vld.msk [tilespmem:s14+$0x0 ss:$0x1], $0xffff;
	_ =	sdelay $0x2  }
0x30: {  	s15 =	sadd.s32 $0x10, s14  }
0x31: {  	v3 =	vld.msk [tilespmem:s15+$0x0 ss:$0x1], $0xffff  }
0x32: {  	vm1 =	veq.s32 v0, $0x80000000;
	v1 =	vand.u32 $0x3, v0;
	v0 =	vshrl.u32 v0, $0x2  }
0x33: {  	v1 =	vsel vm1, $0xFFFFFFFF, v1;
	v0 =	vand.u32 $0x3FFF, v0  }
0x34: {  	v0 =	vsel vm1, $0xFFFFFFFF, v0;
	v2 =	vshrl.u32 v1, $0x2  }
0x35: {  	v2 =	vmul.u32 $0xC000, v2;
	v4 =	vshll.u32 v0, $0x2  }
0x36: {  	v1 =	vshll.u32 v1, $0x7;
	vm1 =	veq.s32 v3, $0x80000000;
	v4 =	vand.u32 $0xFFFFFE00, v4  }
0x37: {  	v1 =	vand.u32 $0x180, v1;
	v0 =	vand.u32 $0x7F, v0;
	v2 =	vadd.s32 v2, v4  }
0x38: {  	s17 =	sadd.s32 $0x10, s15;
	v1 =	vor.u32 v1, v2;
	v2 =	vand.u32 $0x3, v3;
	v3 =	vshrl.u32 v3, $0x2  }
0x39: {  	v1 =	vor.u32 v0, v1;
	v0 =	vld.msk [tilespmem:s17+$0x0 ss:$0x1], $0xffff;
	v2 =	vsel vm1, $0xFFFFFFFF, v2;
	v3 =	vand.u32 $0x3FFF, v3  }
0x3a: {  	v3 =	vsel vm1, $0xFFFFFFFF, v3;
	v63 =	vshrl.u32 v2, $0x2  }
0x3b: {  	s31 =	sshll.u32 s12, $0x6;
	v4 =	vmul.u32 $0xC000, v63;
	v5 =	vshll.u32 v3, $0x2  }
0x3c: {  	s16 =	simm.s32 $0x20;
	s15 =	sor.u32 $0x80, s14;
	s14 =	sand.u32 $0x40, s31;
	v2 =	vshll.u32 v2, $0x7;
	v5 =	vand.u32 $0xFFFFFE00, v5  }
0x3d: {  	s14 =	sor.u32 $0x80, s14;
	(ifvalue) =	ssetifvalue $0x7FFFFFFF;
	s17 =	sadd.s32 $0x10, s17;
	v2 =	vand.u32 $0x180, v2;
	v4 =	vadd.s32 v4, v5  }
0x3e: {  	[tilespmem:s15], [sflag:$0x1] =	stream.indirect_vreg.gather [hbm4b:s2+s10], $0x1, v1, vm0, $0x4038;
	vm1 =	veq.s32 v0, $0x80000000;
	v1 =	vand.u32 $0x7F, v3;
	v2 =	vor.u32 v2, v4;
	[tilespmem:$0x100] =	vst v63  }
.LBB2_3:
0x3f: {  	v3 =	vand.u32 $0x3, v0;
	v4 =	vshrl.u32 v0, $0x2;
	v0 =	vld.msk [tilespmem:s17+$0x0 ss:$0x1], $0xffff;
	v1 =	vor.u32 v1, v2;
	s16 =	sadd.s32 $0x10, s16  }
0x40: {  	v2 =	vsel vm1, $0xFFFFFFFF, v3;
	v3 =	vand.u32 $0x3FFF, v4;
	p1 =	slt.u32 s16, $0x30  }
.Ltmp3:
0x41: {  	v3 =	vsel vm1, $0xFFFFFFFF, v3;
	v4 =	vshrl.u32 v2, $0x2;
	(pc) =	sbr.rel @p1 .LBB2_3-.Ltmp3, $4  }
0x42: {  	v4 =	vmul.u32 $0xC000, v4;
	v5 =	vshll.u32 v3, $0x2  }
0x43: {  	s15 =	sadd.s32 $0x10, s15;
	v2 =	vshll.u32 v2, $0x7;
	v5 =	vand.u32 $0xFFFFFE00, v5;
	(ifvalue) =	ssetifvalue $0x7FFFFFFF  }
0x44: {  	v2 =	vand.u32 $0x180, v2;
	v4 =	vadd.s32 v4, v5;
	[tilespmem:s15], [sflag:$0x1] =	stream.indirect_vreg.gather [hbm4b:s2+s10], $0x1, v1, vm0, $0x4038;
	[tilespmem:$0x100] =	vst v63  }
0x45: {  	s17 =	sadd.s32 $0x10, s17;
	vm1 =	veq.s32 v0, $0x80000000;
	v1 =	vand.u32 $0x7F, v3;
	v2 =	vor.u32 v2, v4  }
.Ltmp4:
0x46: {  	_ = 	snop;
	(pc) =	sbr.rel .LBB2_4-.Ltmp4, $1  }
0x47: {  	_ =	sdelay $0x3  }
.LBB2_6:
0x48: {  	_ =	sfence.sel $0x180000  }
0x49: {  	s2 =	simm.s32 $0x2;
	[bflag:$0x0] =	sbarrier.arrive $0xFFFF  }
0x4a: {  	s30 =	simm.s32 $0x3;
	[sflag:s2] =	ssyncpa.u1 $0x1  }
0x4b: {  	s31 =	simm.s32 $0x1;
	[sflag:s30] =	ssyncpa.u1 $0x1  }
0x4c: {  	[sflag:s31] =	ssyncpa.u1 $0x1  }
0x4d: {  	p0 =	sne.s32 s0, $0x0;
	_ =	strace $0x90000047  }
0x4e: {  	s0 =	sadd.s32 @!p0 $0x100000, s1;
	[bflag:$0x2] =	sbarrier.arrive $0xFFFF  }
0x4f: {  	[sflag:s0] =	ssyncadd.tile.s32 @!p0 $0x1;
	_ =	shalt  }
.Lfunc_end2:
_tile_overlayer_lowered:
.L_overlay_start_2:
0x50: {  	(tag) =	ssettag $0x2  }
0x51: {  	s0 =	rddreg [dreg:$0x0];
	s2 =	stileid.u32  }
0x52: {  	s1 =	rddreg [dreg:$0x1];
	p0 =	sne.s32 s2, $0x0  }
0x53: {  	s3 =	rddreg [dreg:$0x2];
	[bflag:$0x3] =	sbarrier.arrive $0xFFFF;
	s2 =	simm.s32 @!p0 $0x1C01  }
0x54: {  	[timem:s3], [sflag:s2] =	dma.local @!p0 [hbm:s0], s1  }
0x55: {  	s0 =	simm.s32 @!p0 $0x1  }
0x56: {  	_ =	swait.ge @!p0 [sflag:s0], s1  }
0x57: {  	s1 =	ssub.s32 @!p0 $0x0, s1;
	[sflag:s0] =	ssyncset.done @!p0 $0x0  }
0x58: {  	[sflag:s0] =	ssyncadd.s32 @!p0 s1  }
0x59: {  	[bflag:$0x3] =	sbarrier.arrive $0xFFFF  }
0x5a: {  	_ =	shalt  }

// kernel: gather_offload_async_start
scs
__scs_entry_jumppad:
0x0: {  	(pc) =	sbr.rel $0x88, $3  }
0x1: {  	(tag) =	ssettag $0x0;
	lr =	simm.s32 $0x1  }
0x2: {  	[smem:$0x3F9E] =	sst lr;
	_ =	strace $0xD0000000  }
0x3: {  	_ = 	snop  }
0x4: {  	_ = 	snop  }
0x5: {  	_ = 	snop  }
0x6: {  	_ = 	snop  }
0x7: {  	_ = 	snop  }
__scs_overlays_trampoline_lowered:
0x8: {  	[smem:$0x3FAD] =	sst s0  }
0x9: {  	[smem:$0x3FAE] =	sst s1  }
0xa: {  	[smem:$0x3FAF] =	sst s2  }
0xb: {  	[smem:$0x3FB0] =	sst s3  }
0xc: {  	[smem:$0x3FB1] =	sst s4  }
0xd: {  	[smem:$0x3FB2] =	sst s5  }
0xe: {  	[smem:$0x3FB3] =	sst s6  }
0xf: {  	[smem:$0x3FB4] =	sst s7  }
0x10: {  	[smem:$0x3FB5] =	sst s8  }
0x11: {  	[smem:$0x3FB6] =	sst s9;
	s0 =	simm.s32 @!p0 $0x0  }
0x12: {  	s1 =	sld [smem:$0x3F9C];
	s0 =	simm.s32 @p0 $0x1  }
0x13: {  	[smem:$0x3FB7] =	sst s0;
	s0 =	simm.s32 @!p1 $0x0  }
0x14: {  	s2 =	sld [smem:$0x3F9B];
	s0 =	simm.s32 @p1 $0x1  }
0x15: {  	[smem:$0x3FB8] =	sst s0;
	s0 =	simm.s32 @!p2 $0x0  }
0x16: {  	s3 =	sld [smem:$0x3FDB];
	s0 =	simm.s32 @p2 $0x1  }
0x17: {  	s4 =	simm.s32 $0x1BF5;
	[smem:$0x3FBA] =	sst s0  }
0x18: {  	s0 =	sld [smem:$0x3F9D];
	_ =	swait.ge [sflag:s4], $0x0  }
0x19: {  	s7 =	sld [smem:$0x3F9E]  }
0x1a: {  	s8 =	sadd.s32 $0xFFFFE003, lr  }
0x1b: {  	s9 =	sadd.s32 $0xFFFFFEF7, lr;
	s5 =	simm.s32 $0xFFFFFFFF;
	p2 =	slt.u32 s8, $0xFFFFF086  }
0x1c: {  	p1 =	slt.u32 s9, $0xF7A;
	s5 =	simm.s32 @!p2 $0x0  }
0x1d: {  	s5 =	simm.s32 @p1 $0x1;
	p0 =	seq.s32 s7, s2  }
0x1e: {  	s7 =	smul.u32 @!p0 $0xF7A, s2;
	p2 =	seq.s32 @!p0 s5, $0x0  }
0x1f: {  	s9 =	smul.u32 $0xF7A, s1;
	s8 =	simm.s32 @!p0 $0x1BF5;
	p2 =	por !p2, p0  }
0x20: {  	[sflag:s8] =	ssyncset.s32 @!p0 $0xFFFFF086;
	s6 =	sadd.s32 @!p0 s3, s7;
	s7 =	simm.s32 @!p0 $0x108  }
0x21: {  	s3 =	sadd.s32 s3, s9;
	s6 =	sadd.s32 @!p0 $0x88, s6;
	s7 =	simm.s32 @p2 $0x1082  }
0x22: {  	[simem:s7], [sflag:s8] =	dma.local @!p0 [hbm:s6], $0xF7A  }
0x23: {  	s9 =	sor.u32 $0xD0000000, s2;
	s6 =	simm.s32 $0x108;
	_ =	swait.ge @!p0 [sflag:s8], $0x0  }
0x24: {  	s3 =	sadd.s32 $0x88, s3;
	s6 =	simm.s32 @!p1 $0x1082;
	[sflag:s4] =	ssyncset.s32 $0xFFFFF086  }
0x25: {  	[simem:s6], [sflag:s4] =	dma.local [hbm:s3], $0xF7A  }
0x26: {  	[smem:$0x3F9E] =	sst s1;
	(tag) =	ssettag s2;
	_ =	strace s9  }
0x27: {  	s1 =	sld [smem:$0x3FAE]  }
0x28: {  	s2 =	sld [smem:$0x3FAF]  }
0x29: {  	s4 =	sld [smem:$0x3FB1]  }
0x2a: {  	p0 =	seq.s32 s5, $0x0;
	s5 =	sld [smem:$0x3FB2]  }
0x2b: {  	s6 =	sld [smem:$0x3FB3]  }
0x2c: {  	s7 =	sld [smem:$0x3FB4]  }
0x2d: {  	s3 =	simm.s32 $0x108;
	s8 =	sld [smem:$0x3FB5]  }
0x2e: {  	s3 =	simm.s32 @!p0 $0x1082;
	s9 =	sld [smem:$0x3FB6]  }
0x2f: {  	lr =	sadd.s32 s0, s3;
	s0 =	sld [smem:$0x3FAD]  }
0x30: {  	s3 =	sld [smem:$0x3FB0]  }
0x31: {  	[smem:$0x3FB9] =	sst s10  }
0x32: {  	s10 =	sld [smem:$0x3FB7];
	_ =	sdelay $0x3  }
0x33: {  	p0 =	seq.s32 s10, $0x1;
	s10 =	sld [smem:$0x3FB9];
	_ =	sdelay $0x3  }
0x34: {  	[smem:$0x3FB9] =	sst s10  }
0x35: {  	s10 =	sld [smem:$0x3FB8];
	_ =	sdelay $0x3  }
0x36: {  	p1 =	seq.s32 s10, $0x1;
	s10 =	sld [smem:$0x3FB9];
	_ =	sdelay $0x3  }
0x37: {  	[smem:$0x3FB9] =	sst s10  }
0x38: {  	s10 =	sld [smem:$0x3FBA]  }
0x39: {  	_ = 	snop;
	(pc) =	sbr.ind lr, $3  }
0x3a: {  	_ = 	snop  }
0x3b: {  	_ = 	snop  }
0x3c: {  	p2 =	seq.s32 s10, $0x1;
	s10 =	sld [smem:$0x3FB9]  }
0x3d: {  	_ =	shalt  }
0x3e: {  	_ =	shalt  }
0x3f: {  	_ =	shalt  }
0x40: {  	_ =	shalt  }
0x41: {  	_ =	shalt  }
0x42: {  	_ =	shalt  }
0x43: {  	_ =	shalt  }
0x44: {  	_ =	shalt  }
0x45: {  	_ =	shalt  }
0x46: {  	_ =	shalt  }
0x47: {  	_ =	shalt  }
0x48: {  	_ =	shalt  }
0x49: {  	_ =	shalt  }
0x4a: {  	_ =	shalt  }
0x4b: {  	_ =	shalt  }
0x4c: {  	_ =	shalt  }
0x4d: {  	_ =	shalt  }
0x4e: {  	_ =	shalt  }
0x4f: {  	_ =	shalt  }
0x50: {  	_ =	shalt  }
0x51: {  	_ =	shalt  }
0x52: {  	_ =	shalt  }
0x53: {  	_ =	shalt  }
0x54: {  	_ =	shalt  }
0x55: {  	_ =	shalt  }
0x56: {  	_ =	shalt  }
0x57: {  	_ =	shalt  }
0x58: {  	_ =	shalt  }
0x59: {  	_ =	shalt  }
0x5a: {  	_ =	shalt  }
0x5b: {  	_ =	shalt  }
0x5c: {  	_ =	shalt  }
0x5d: {  	_ =	shalt  }
0x5e: {  	_ =	shalt  }
0x5f: {  	_ =	shalt  }
0x60: {  	_ =	shalt  }
0x61: {  	_ =	shalt  }
0x62: {  	_ =	shalt  }
0x63: {  	_ =	shalt  }
0x64: {  	_ =	shalt  }
0x65: {  	_ =	shalt  }
0x66: {  	_ =	shalt  }
0x67: {  	_ =	shalt  }
0x68: {  	_ =	shalt  }
0x69: {  	_ =	shalt  }
0x6a: {  	_ =	shalt  }
0x6b: {  	_ =	shalt  }
0x6c: {  	_ =	shalt  }
0x6d: {  	_ =	shalt  }
0x6e: {  	_ =	shalt  }
0x6f: {  	_ =	shalt  }
0x70: {  	_ =	shalt  }
0x71: {  	_ =	shalt  }
0x72: {  	_ =	shalt  }
0x73: {  	_ =	shalt  }
0x74: {  	_ =	shalt  }
0x75: {  	_ =	shalt  }
0x76: {  	_ =	shalt  }
0x77: {  	_ =	shalt  }
0x78: {  	_ =	shalt  }
0x79: {  	_ =	shalt  }
0x7a: {  	_ =	shalt  }
0x7b: {  	_ =	shalt  }
0x7c: {  	_ =	shalt  }
0x7d: {  	_ =	shalt  }
0x7e: {  	_ =	shalt  }
0x7f: {  	_ =	shalt  }
0x80: {  	_ =	shalt  }
0x81: {  	_ =	shalt  }
0x82: {  	_ =	shalt  }
0x83: {  	_ =	shalt  }
0x84: {  	_ =	shalt  }
0x85: {  	_ =	shalt  }
0x86: {  	_ =	shalt  }
0x87: {  	_ =	shalt  }
.Lfunc_end0:
.L_simem_size_0:
called_computation_lowered:
.L_overlay_start_0:
0x88: {  	s2 =	sld [smem:$0x3FD9]  }
0x89: {  	s3 =	sld [smem:$0x3FFE];
	_ =	sdelay $0x1  }
0x8a: {  	s1 =	srdreg.scid  }
0x8b: {  	s0 =	sand.u32 $0x1, s1  }
0x8c: {  	s15 =	sshll.u32 s0, $0xA;
	s2 =	sadd.s32 s3, s2  }
0x8d: {  	s2 =	sadd.s32 s2, s15  }
0x8e: {  	[smem:$0x3FC5] =	sst s2  }
0x8f: {  	_ = 	snop  }
0x90: {  	s2 =	sld [smem:$0x3FD0];
	_ =	sdelay $0x2  }
0x91: {  	s16 =	simm.s32 $0xB;
	s4 =	simm.s32 $0x10  }
0x92: {  	[smem:s4], [sflag:s16] =	dma.local [hbm:s2], $0x1  }
0x93: {  	_ =	swait.eq [sflag:s16], $0x1  }
0x94: {  	[sflag:s16] =	ssyncset.done $0x0  }
0x95: {  	[sflag:s16] =	ssyncadd.s32 $0xFFFFFFFF  }
0x96: {  	s17 =	sld [smem:$0x10];
	(tm) =	ssettm $0x1  }
0x97: {  	s18 =	sld [smem:$0x3FFB];
	_ =	sdelay $0x3  }
0x98: {  	_ =	strace s18  }
0x99: {  	s2 =	sld [smem:$0x3FFC];
	_ =	sdelay $0x3  }
0x9a: {  	_ =	strace s2  }
0x9b: {  	s2 =	sld [smem:$0x3FFD];
	_ =	sdelay $0x3  }
0x9c: {  	_ =	strace s2  }
0x9d: {  	_ =	strace $0x8FFFFFFF  }
0x9e: {  	s19 =	sld [smem:$0x3FDB];
	_ =	sdelay $0x1  }
0x9f: {  	s20 =	simm.s32 $_scs_section_size  }
0xa0: {  	s5 =	simm.s32 $_size__tile_overlayer_lowered;
	s6 =	simm.s32 $_tile_overlayer_lowered  }
0xa1: {  	s7 =	simm.s32 $0x1BFF;
	s21 =	sshll.u32 s6, $0x1;
	s4 =	sadd.s32 s20, s19  }
0xa2: {  	s22 =	simm.s32 $0x0;
	s5 =	sshll.u32 s5, $0x1;
	s6 =	sadd.s32 s21, s4  }
0xa3: {  	[timem:s22], [sflag:s7] =	dma.local [hbm:s6], s5  }
0xa4: {  	_ =	swait.ge [sflag:s7], s5  }
0xa5: {  	s5 =	ssub.s32 $0x0, s5;
	[sflag:s7] =	ssyncset.done $0x0  }
0xa6: {  	[sflag:s7] =	ssyncadd.s32 s5;
	_ =	sdelay $0x1  }
0xa7: {  	s23 =	simm.s32 $0x1B8B  }
0xa8: {  	_ =	swait.ge [sflag:s23], $0x1  }
0xa9: {  	[sflag:s23] =	ssyncset.done $0x0  }
0xaa: {  	[sflag:s23] =	ssyncadd.s32 $0xFFFFFFFF  }
0xab: {  	s5 =	sld [smem:$0x0]  }
0xac: {  	s6 =	sand.u32 $0xFFFFFFFE, s1  }
0xad: {  	p0 =	sne.s32 s1, s6  }
0xae: {  	s6 =	sshll.u32 @p0 s6, $0xE  }
0xaf: {  	s6 =	sadd.s32 @p0 $0x11B8D, s6;
	s7 =	sshll.u32 @p0 s5, $0x11  }
0xb0: {  	s6 =	sor.u32 @p0 s7, s6  }
0xb1: {  	[sflag:s6] =	ssyncadd.remote.s32 @p0 $0x1;
	_ =	sdelay $0x1  }
0xb2: {  	s6 =	simm.s32 @p0 $0x1B8D  }
0xb3: {  	_ =	swait.eq @p0 [sflag:s6], $0x1  }
0xb4: {  	[sflag:s6] =	ssyncadd.s32 @p0 $0xFFFFFFFF  }
0xb5: {  	s7 =	sshll.u32 @!p0 s1, $0xE  }
0xb6: {  	s7 =	sor.u32 @!p0 $0x4000, s7;
	s6 =	simm.s32 @!p0 $0x1B8D  }
0xb7: {  	s5 =	sshll.u32 @!p0 s5, $0x11;
	s7 =	sadd.s32 @!p0 $0x11B8D, s7;
	_ =	swait.eq @!p0 [sflag:s6], $0x1  }
0xb8: {  	s5 =	sor.u32 @!p0 s5, s7;
	[sflag:s6] =	ssyncadd.s32 @!p0 $0xFFFFFFFF  }
0xb9: {  	s25 =	simm.s32 $0x1B8E;
	s24 =	sld [smem:$0x3FFE];
	[sflag:s5] =	ssyncadd.remote.s32 @!p0 $0x1  }
0xba: {  	s26 =	simm.s32 $execute0_lowered;
	[smem:$0x3FD2] =	sst s25  }
0xbb: {  	s6 =	sshll.u32 s26, $0x1;
	_ =	strace $0x80000052;
	[dreg:$0x1] =	wrdreg $0xFFFFFFFF  }
0xbc: {  	s28 =	simm.s32 $_size_execute0_lowered;
	s4 =	sadd.s32 s4, s6;
	[dreg:$0x0] =	wrdreg $0x0  }
0xbd: {  	s6 =	sshll.u32 s28, $0x1;
	[dreg:$0x2] =	wrdreg s4  }
0xbe: {  	[dreg:$0x3] =	wrdreg s6  }
0xbf: {  	[dreg:$0x4] =	wrdreg $0xC0  }
0xc0: {  	_ =	task [dreg:s22], $0x5FFFF  }
0xc1: {  	[dreg:$0x1] =	wrdreg $0xFFFFFFFF  }
0xc2: {  	[dreg:$0x0] =	wrdreg $0x60  }
0xc3: {  	[dreg:$0x2] =	wrdreg s24  }
0xc4: {  	[dreg:$0x3] =	wrdreg s17  }
0xc5: {  	[dreg:$0x4] =	wrdreg $0x9  }
0xc6: {  	_ =	task.clear_ibuf [dreg:s22], $0x5FFFF;
	_ =	strace $0x90000052  }
0xc7: {  	s29 =	simm.s32 $0x9;
	_ =	strace $0x80000054  }
0xc8: {  	_ =	swait.ge [sflag:s29], $0x1  }
0xc9: {  	[sflag:s29] =	ssyncadd.s32 $0xFFFFFFFF  }
0xca: {  	_ =	strace $0x90000054  }
0xcb: {  	_ =	sfence  }
0xcc: {  	s30 =	sld [smem:$0x0];
	_ =	sdelay $0x2  }
0xcd: {  	s31 =	sshll.u32 s1, $0xD;
	s1 =	sshrl.u32 s1, $0x2  }
0xce: {  	s4 =	sand.u32 $0x4000, s31;
	s1 =	sadd.s32 s1, s30  }
0xcf: {  	s0 =	sor.u32 s4, s0;
	s1 =	sshll.u32 s1, $0x11  }
0xd0: {  	s0 =	sor.u32 s1, s0  }
0xd1: {  	s0 =	sadd.s32 $0x8F2B, s0  }
0xd2: {  	[sflag:s0] =	ssyncadd.remote.s32 $0x1  }
0xd3: {  	_ =	sfence.sel $0xFFFF  }
0xd4: {  	[dreg:$0x0] =	wrdreg $0xFFFFFFFF;
	(pc) =	sbr.abs _section_cstart, $3  }
0xd5: {  	[dreg:$0x1] =	wrdreg $0xFFFFFFFF  }
0xd6: {  	_ =	task.clear_ibuf [dreg:s22], $0x2FFFF;
	_ =	strace $0x9FFFFFFF  }
0xd7: {  	(tm) =	ssettm $0x7FFFFFFF  }
tec
execute0_lowered:
.L_overlay_start_1:
0x0: {  	(tag) =	ssettag $0x1  }
0x1: {  	s1 =	srdreg.scid;
	s5 =	rddreg [dreg:$0x0]  }
0x2: {  	s0 =	stileid.u32;
	s2 =	rddreg [dreg:$0x1];
	s6 =	simm.s32 $0x1  }
0x3: {  	s9 =	simm.s32 $0x1;
	s10 =	simm.s32 $0x3;
	s1 =	sshll.u32 s1, $0x6  }
0x4: {  	s13 =	simm.s32 $0x0;
	s3 =	sshll.u32 s0, $0x7;
	s4 =	sand.u32 $0x40, s1  }
0x5: {  	s12 =	simm.s32 $0x0;
	s1 =	rddreg [dreg:$0x2];
	s3 =	sor.u32 s3, s4  }
0x6: {  	_ =	strace $0x80000053;
	s4 =	sadd.s32 $0x6200, s5;
	s8 =	ssub.s32 $0x1000, s3  }
.Ltmp0:
0x7: {  	s5 =	sadd.s32 $0x200, s5;
	s7 =	sand.u32 $0x7C0, s8;
	(pc) =	sbr.rel .LBB2_1-.Ltmp0, $4  }
0x8: {  	[sflag:s6] =	ssyncpa.u1 $0x0;
	s11 =	smov.u32 s3;
	p0 =	sne.s32 s7, $0x0  }
0x9: {  	s8 =	sshrl.u32 s8, $0xB;
	s7 =	simm.s32 $0x2;
	s9 =	simm.s32 @!p0 $0x0  }
0xa: {  	[sflag:s7] =	ssyncpa.u1 $0x0;
	p0 =	por $0x0, $0x0;
	s8 =	sadd.s32 s9, s8  }
0xb: {  	vm0 =	vmmov $0xffff;
	[sflag:s10] =	ssyncpa.u1 $0x0;
	s10 =	simm.s32 $0x0;
	s9 =	sadd.s32 $0x1, s8  }
.LBB2_4:
0xc: {  	v3 =	vand.u32 $0x3, v0;
	v62 =	vshrl.u32 v0, $0x2  }
0xd: {  	v3 =	vsel vm1, $0xFFFFFFFF, v3;
	v0 =	vand.u32 $0x3FFF, v62  }
0xe: {  	v0 =	vsel vm1, $0xFFFFFFFF, v0;
	v4 =	vshrl.u32 v3, $0x2  }
0xf: {  	v4 =	vmul.u32 $0xC000, v4;
	v5 =	vshll.u32 v0, $0x2  }
0x10: {  	v3 =	vshll.u32 v3, $0x7;
	v5 =	vand.u32 $0xFFFFFE00, v5  }
0x11: {  	v1 =	vor.u32 v1, v2;
	v3 =	vand.u32 $0x180, v3;
	v63 =	vadd.s32 v4, v5  }
0x12: {  	v0 =	vand.u32 $0x7F, v0;
	v2 =	vor.u32 v3, v63  }
0x13: {  	v0 =	vor.u32 v0, v2;
	_ =	sdelay $0x1  }
0x14: {  	(ifvalue) =	ssetifvalue $0x7FFFFFFF;
	s15 =	sadd.s32 $0x10, s15  }
0x15: {  	[tilespmem:s15], [sflag:$0x1] =	stream.indirect_vreg.gather [hbm4b:s4+s10], $0x1, v1, vm0, $0x4038;
	[tilespmem:$0x100] =	vst v63  }
0x16: {  	(ifvalue) =	ssetifvalue $0x7FFFFFFF;
	s15 =	sadd.s32 $0x10, s15  }
0x17: {  	[tilespmem:s15], [sflag:$0x1] =	stream.indirect_vreg.gather [hbm4b:s4+s10], $0x1, v0, vm0, $0x4038;
	[tilespmem:$0x100] =	vst v63  }
0x18: {  	_ =	swait.ge [sflag:s6], $0x40  }
0x19: {  	s30 =	sshrl.u32 s13, $0x3;
	[sflag:s6] =	ssyncset.done $0x0  }
0x1a: {  	s31 =	sand.u32 $0x7, s13;
	s15 =	sadd.s32 s5, s30;
	[sflag:s6] =	ssyncadd.s32 $0xFFFFFFC0  }
0x1b: {  	[hbm4b:s15+s31] =	stream.linear.scatter [tilespmem:s14], [sflag:$0x3], $0x40, $0x38;
	[tilespmem:$0x100] =	vst v63  }
.LBB2_5:
0x1c: {  	s15 =	sadd.s32 $0x800, s11  }
0x1d: {  	p2 =	sgt.s32 s15, $0xFFF  }
0x1e: {  	s15 =	smov.u32 @p2 s3;
	p2 =	sne.s32 s12, s9  }
.Ltmp1:
0x1f: {  	p1 =	slt.u32 s12, $0x2;
	(pc) =	sbr.rel @!p2 .LBB2_6-.Ltmp1, $4  }
0x20: {  	s14 =	simm.s32 @!p1 $0x3  }
0x21: {  	s16 =	sadd.s32 $0x1, s12;
	_ =	swait.ge @!p1 [sflag:s14], $0x40  }
0x22: {  	s13 =	smov.u32 s11;
	p0 =	por !p0, !p0;
	[sflag:s14] =	ssyncset.done @!p1 $0x0  }
0x23: {  	s12 =	smov.u32 s16;
	s11 =	smov.u32 s15;
	[sflag:s14] =	ssyncadd.s32 @!p1 $0xFFFFFFC0  }
.LBB2_1:
0x24: {  	p1 =	sge.u32 s12, s8  }
0x25: {  	s14 =	sxor.u32 @!p1 $0xFFFFFFFF, s12  }
0x26: {  	s31 =	sadd.s32 $0xFFFFFFFF, s12;
	s15 =	sshrl.u32 @!p1 s11, $0x3;
	s14 =	sshll.u32 @!p1 s14, $0x6  }
0x27: {  	s16 =	sand.u32 @!p1 $0x7, s11;
	s15 =	sadd.s32 @!p1 s2, s15;
	s14 =	sand.u32 @!p1 $0x40, s14  }
0x28: {  	[tilespmem:s14], [sflag:$0x2] =	stream.linear.gather @!p1 [hbm4b:s15+s16], $0x40, $0x38;
	[tilespmem:$0x100] =	vst v63  }
0x29: {  	p1 =	sge.u32 s31, s8  }
.Ltmp2:
0x2a: {  	_ = 	snop;
	(pc) =	sbr.rel @p1 .LBB2_5-.Ltmp2, $1  }
0x2b: {  	_ =	sdelay $0x3  }
0x2c: {  	s14 =	simm.s32 $0x1  }
0x2d: {  	_ =	swait.ge [sflag:s7], $0x40;
	s14 =	simm.s32 @!p0 $0x0  }
0x2e: {  	[sflag:s7] =	ssyncset.done $0x0;
	s14 =	sshll.u32 s14, $0x6  }
0x2f: {  	[sflag:s7] =	ssyncadd.s32 $0xFFFFFFC0;
	(ifvalue) =	ssetifvalue $0x7FFFFFFF;
	v0 =	vld.msk [tilespmem:s14+$0x0 ss:$0x1], $0xffff;
	_ =	sdelay $0x2  }
0x30: {  	s15 =	sadd.s32 $0x10, s14  }
0x31: {  	v3 =	vld.msk [tilespmem:s15+$0x0 ss:$0x1], $0xffff  }
0x32: {  	vm1 =	veq.s32 v0, $0x80000000;
	v1 =	vand.u32 $0x3, v0;
	v0 =	vshrl.u32 v0, $0x2  }
0x33: {  	v1 =	vsel vm1, $0xFFFFFFFF, v1;
	v0 =	vand.u32 $0x3FFF, v0  }
0x34: {  	v0 =	vsel vm1, $0xFFFFFFFF, v0;
	v2 =	vshrl.u32 v1, $0x2  }
0x35: {  	v2 =	vmul.u32 $0xC000, v2;
	v4 =	vshll.u32 v0, $0x2  }
0x36: {  	v1 =	vshll.u32 v1, $0x7;
	vm1 =	veq.s32 v3, $0x80000000;
	v4 =	vand.u32 $0xFFFFFE00, v4  }
0x37: {  	v1 =	vand.u32 $0x180, v1;
	v0 =	vand.u32 $0x7F, v0;
	v2 =	vadd.s32 v2, v4  }
0x38: {  	s17 =	sadd.s32 $0x10, s15;
	v1 =	vor.u32 v1, v2;
	v2 =	vand.u32 $0x3, v3;
	v3 =	vshrl.u32 v3, $0x2  }
0x39: {  	v1 =	vor.u32 v0, v1;
	v0 =	vld.msk [tilespmem:s17+$0x0 ss:$0x1], $0xffff;
	v2 =	vsel vm1, $0xFFFFFFFF, v2;
	v3 =	vand.u32 $0x3FFF, v3  }
0x3a: {  	v3 =	vsel vm1, $0xFFFFFFFF, v3;
	v63 =	vshrl.u32 v2, $0x2  }
0x3b: {  	s31 =	sshll.u32 s12, $0x6;
	v4 =	vmul.u32 $0xC000, v63;
	v5 =	vshll.u32 v3, $0x2  }
0x3c: {  	s16 =	simm.s32 $0x20;
	s15 =	sor.u32 $0x80, s14;
	s14 =	sand.u32 $0x40, s31;
	v2 =	vshll.u32 v2, $0x7;
	v5 =	vand.u32 $0xFFFFFE00, v5  }
0x3d: {  	s14 =	sor.u32 $0x80, s14;
	(ifvalue) =	ssetifvalue $0x7FFFFFFF;
	s17 =	sadd.s32 $0x10, s17;
	v2 =	vand.u32 $0x180, v2;
	v4 =	vadd.s32 v4, v5  }
0x3e: {  	[tilespmem:s15], [sflag:$0x1] =	stream.indirect_vreg.gather [hbm4b:s4+s10], $0x1, v1, vm0, $0x4038;
	vm1 =	veq.s32 v0, $0x80000000;
	v1 =	vand.u32 $0x7F, v3;
	v2 =	vor.u32 v2, v4;
	[tilespmem:$0x100] =	vst v63  }
.LBB2_3:
0x3f: {  	v3 =	vand.u32 $0x3, v0;
	v4 =	vshrl.u32 v0, $0x2;
	v0 =	vld.msk [tilespmem:s17+$0x0 ss:$0x1], $0xffff;
	v1 =	vor.u32 v1, v2;
	s16 =	sadd.s32 $0x10, s16  }
0x40: {  	v2 =	vsel vm1, $0xFFFFFFFF, v3;
	v3 =	vand.u32 $0x3FFF, v4;
	p1 =	slt.u32 s16, $0x30  }
.Ltmp3:
0x41: {  	v3 =	vsel vm1, $0xFFFFFFFF, v3;
	v4 =	vshrl.u32 v2, $0x2;
	(pc) =	sbr.rel @p1 .LBB2_3-.Ltmp3, $4  }
0x42: {  	v4 =	vmul.u32 $0xC000, v4;
	v5 =	vshll.u32 v3, $0x2  }
0x43: {  	s15 =	sadd.s32 $0x10, s15;
	v2 =	vshll.u32 v2, $0x7;
	v5 =	vand.u32 $0xFFFFFE00, v5;
	(ifvalue) =	ssetifvalue $0x7FFFFFFF  }
0x44: {  	v2 =	vand.u32 $0x180, v2;
	v4 =	vadd.s32 v4, v5;
	[tilespmem:s15], [sflag:$0x1] =	stream.indirect_vreg.gather [hbm4b:s4+s10], $0x1, v1, vm0, $0x4038;
	[tilespmem:$0x100] =	vst v63  }
0x45: {  	s17 =	sadd.s32 $0x10, s17;
	vm1 =	veq.s32 v0, $0x80000000;
	v1 =	vand.u32 $0x7F, v3;
	v2 =	vor.u32 v2, v4  }
.Ltmp4:
0x46: {  	_ = 	snop;
	(pc) =	sbr.rel .LBB2_4-.Ltmp4, $1  }
0x47: {  	_ =	sdelay $0x3  }
.LBB2_6:
0x48: {  	_ =	sfence.sel $0x180000  }
0x49: {  	s2 =	simm.s32 $0x2;
	[bflag:$0x0] =	sbarrier.arrive $0xFFFF  }
0x4a: {  	s30 =	simm.s32 $0x3;
	[sflag:s2] =	ssyncpa.u1 $0x1  }
0x4b: {  	s31 =	simm.s32 $0x1;
	[sflag:s30] =	ssyncpa.u1 $0x1  }
0x4c: {  	[sflag:s31] =	ssyncpa.u1 $0x1  }
0x4d: {  	p0 =	sne.s32 s0, $0x0;
	_ =	strace $0x90000053  }
0x4e: {  	s0 =	sadd.s32 @!p0 $0x100000, s1;
	[bflag:$0x2] =	sbarrier.arrive $0xFFFF  }
0x4f: {  	[sflag:s0] =	ssyncadd.tile.s32 @!p0 $0x1;
	_ =	shalt  }
.Lfunc_end2:
_tile_overlayer_lowered:
.L_overlay_start_2:
0x50: {  	(tag) =	ssettag $0x2  }
0x51: {  	s0 =	rddreg [dreg:$0x0];
	s2 =	stileid.u32  }
0x52: {  	s1 =	rddreg [dreg:$0x1];
	p0 =	sne.s32 s2, $0x0  }
0x53: {  	s3 =	rddreg [dreg:$0x2];
	[bflag:$0x3] =	sbarrier.arrive $0xFFFF;
	s2 =	simm.s32 @!p0 $0x1C01  }
0x54: {  	[timem:s3], [sflag:s2] =	dma.local @!p0 [hbm:s0], s1  }
0x55: {  	s0 =	simm.s32 @!p0 $0x1  }
0x56: {  	_ =	swait.ge @!p0 [sflag:s0], s1  }
0x57: {  	s1 =	ssub.s32 @!p0 $0x0, s1;
	[sflag:s0] =	ssyncset.done @!p0 $0x0  }
0x58: {  	[sflag:s0] =	ssyncadd.s32 @!p0 s1  }
0x59: {  	[bflag:$0x3] =	sbarrier.arrive $0xFFFF  }
0x5a: {  	_ =	shalt  }

</sc_bundles>
